<compile_context>
chip_gen: v7x
topology: tpu7x:2x2x1
jax: 0.10.2.dev20260603
libtpu: 0.0.44.dev20260713+nightly
codegen_flags: <defaults>
</compile_context>

<pallas_src>
import functools

import jax
import jax.numpy as jnp
from jax import lax
from jax.experimental import pallas as pl
from jax.experimental.pallas import tpu as pltpu
from jax.experimental.pallas import tpu_sc as plsc

B, X, L = 8, 768, 576
H, D = 8, 96
K, C = 8192, 256
SCALE = D ** (-0.5)


KB1 = 1024


DP = 128


def _proj_body(codes_ref, wk_ref, wv_ref, k_ref, v_ref):
    cds = codes_ref[...]
    kk = jnp.dot(cds, wk_ref[...], preferred_element_type=jnp.float32)
    for h in range(H):
        k_ref[h] = kk[:, h * D:(h + 1) * D]
    for h in range(H):
        v_ref[h] = jnp.dot(cds, wv_ref[h], preferred_element_type=jnp.float32)


def _project(codes, wk_flat, wv_t):
    return pl.pallas_call(
        _proj_body,
        grid=(K // KB1,),
        in_specs=[
            pl.BlockSpec((KB1, C), lambda i: (i, 0)),
            pl.BlockSpec((C, H * D), lambda i: (0, 0)),
            pl.BlockSpec((H, C, DP), lambda i: (0, 0, 0)),
        ],
        out_specs=[
            pl.BlockSpec((H, KB1, D), lambda i: (0, i, 0)),
            pl.BlockSpec((H, KB1, DP), lambda i: (0, i, 0)),
        ],
        out_shape=[
            jax.ShapeDtypeStruct((H, K, D), jnp.float32),
            jax.ShapeDtypeStruct((H, K, DP), jnp.float32),
        ],
    )(codes, wk_flat, wv_t)



KM = 8192
KT = K // KM


S = H * B * KT


def _hbk(s):
    h = s // (B * KT)
    r = s % (B * KT)
    return h, r // KT, r % KT


def _argmax_body(x_ref, k_ref, idx_ref, gidx_ref):
    s = pl.program_id(0)
    h = s // B
    q = x_ref[0] * SCALE
    kk = k_ref[0]
    lt = lax.dot_general(kk, q, (((1,), (0,)), ((), ())),
                         preferred_element_type=jnp.float32)
    tile_max = jnp.max(lt, axis=0, keepdims=True)
    eqb = jnp.where(lt == tile_max, 1.0, 0.0).astype(jnp.bfloat16)
    ii = lax.broadcasted_iota(jnp.int32, (3, KM), 1)
    rr = lax.broadcasted_iota(jnp.int32, (3, KM), 0)
    iot3 = jnp.where(rr == 0, ii // 256,
                     jnp.where(rr == 1, (ii // 16) % 16, ii % 16))
    iot3 = iot3.astype(jnp.bfloat16)
    r3 = lax.dot_general(iot3, eqb, (((1,), (0,)), ((), ())),
                         preferred_element_type=jnp.float32)
    idx_f = r3[0:1] * 256.0 + r3[1:2] * 16.0 + r3[2:3]
    idx_i = idx_f.astype(jnp.int32)
    idx_ref[...] = idx_i.reshape(1, 1, 1, L)
    gidx_ref[...] = (idx_i + h * K).reshape(1, 1, 1, L)


def _argmax(x, k3):

    def xmap(s):
        h, b, _ = _hbk(s)
        return (b, h, 0)

    def kmap(s):
        h, _, kt = _hbk(s)
        return (h, kt, 0)

    def omap(s):
        h, b, _ = _hbk(s)
        return (b, h, 0, 0)

    return pl.pallas_call(
        _argmax_body,
        grid=(S,),
        in_specs=[
            pl.BlockSpec((1, D, L), xmap),
            pl.BlockSpec((1, KM, D), kmap),
        ],
        out_specs=[
            pl.BlockSpec((1, 1, 1, L), omap),
            pl.BlockSpec((1, 1, 1, L), omap),
        ],
        out_shape=[
            jax.ShapeDtypeStruct((B, H, 1, L), jnp.int32),
            jax.ShapeDtypeStruct((B, H, 1, L), jnp.int32),
        ],
        compiler_params=pltpu.CompilerParams(
            dimension_semantics=("arbitrary",),
        ),
    )(x, k3)



NW = 32
ROWS = B * H * L
RPW = ROWS // NW
CHUNK = 128
NCH = RPW // CHUNK


@functools.cache
def _make_sc_gather():
    mesh = plsc.VectorSubcoreMesh(core_axis_name="c", subcore_axis_name="s")

    @functools.partial(
        pl.kernel,
        mesh=mesh,
        out_type=jax.ShapeDtypeStruct((ROWS, DP), jnp.float32),
        scratch_types=[
            pltpu.VMEM((NCH, CHUNK), jnp.int32),
            pltpu.VMEM((2, CHUNK, DP), jnp.float32),
            pltpu.SemaphoreType.DMA,
            pltpu.SemaphoreType.DMA,
            pltpu.SemaphoreType.DMA,
        ],
        compiler_params=pltpu.CompilerParams(use_tc_tiling_on_sc=True),
    )
    def sc_gather(table_hbm, gidx_hbm, out_hbm, idx_v, buf, gsem, wsem0,
                  wsem1):
        wid = lax.axis_index("s") * 2 + lax.axis_index("c")
        base = wid * RPW
        pltpu.sync_copy(gidx_hbm.at[wid], idx_v)
        wsems = (wsem0, wsem1)

        def gather(j):
            return pltpu.async_copy(table_hbm.at[idx_v.at[j]], buf.at[j % 2],
                                    gsem)

        def writeback(j):
            return pltpu.async_copy(
                buf.at[j % 2], out_hbm.at[pl.ds(base + j * CHUNK, CHUNK)],
                wsems[j % 2])

        g = gather(0)
        wbs = [None, None]
        for j in range(NCH):
            g.wait()
            if j + 1 < NCH:
                nxt = (j + 1) % 2
                if wbs[nxt] is not None:
                    wbs[nxt].wait()
                    wbs[nxt] = None
                g = gather(j + 1)
            wbs[j % 2] = writeback(j)
        for wb in wbs:
            if wb is not None:
                wb.wait()

    return sc_gather


def kernel(x, codes, Wk, Wv):
    wv_t = jnp.pad(Wv, ((0, 0), (0, 0), (0, DP - D))).transpose(1, 0, 2)
    k3, v3 = _project(codes, Wk.reshape(C, H * D), wv_t)
    idx4, gidx4 = _argmax(x, k3)
    rows = _make_sc_gather()(v3.reshape(H * K, DP),
                             gidx4.reshape(NW, NCH, CHUNK))
    out = (rows.reshape(B, H, L, DP)[..., :D]
           .transpose(0, 1, 3, 2).reshape(B, H * D, L))
    return out, idx4.reshape(B, H, L)

# --- scband reference (transcript-rebuilt; emitter-appended) ---
"""Pipeline reference for scband-hard-attn-85882166051070 (READ-ONLY COPY).

The authoritative reference and input builder live on the scoring server;
editing this copy changes nothing except your own understanding.
"""

import jax, jax.numpy as jnp
import numpy as np

B, X, L = 8, 768, 576
H, D = 8, 96
K, C = 8192, 256

def setup_inputs(seed: int = 0) -> dict:
    key = jax.random.key(seed)
    k1, k2, k3, k4 = jax.random.split(key, 4)
    x = jax.random.normal(k1, (B, X, L), dtype=jnp.float32)
    codes = jax.random.normal(k2, (K, C), dtype=jnp.float32)
    Wk = jax.random.normal(k3, (C, H, D), dtype=jnp.float32) * (C ** -0.5)
    Wv = jax.random.normal(k4, (C, H, D), dtype=jnp.float32) * (C ** -0.5)
    return {"x": x, "codes": codes, "Wk": Wk, "Wv": Wv}

def reference(x, codes, Wk, Wv):
    # eval-mode HardAttn: argmax hard attention over codebook
    h, d = H, D
    scale = d ** (-0.5)
    b, xdim, l = x.shape
    # rearrange 'b (h d) l -> b h l d'
    q = scale * jnp.transpose(x.reshape(b, h, d, l), (0, 1, 3, 2))
    # EinMix 'n c -> h n d' with weight 'c h d'
    k = jnp.einsum('nc,chd->hnd', codes, Wk)
    v = jnp.einsum('nc,chd->hnd', codes, Wv)
    logits = jnp.einsum('bhld,hmd->bhlm', q, k)
    codebook_indices = jnp.argmax(logits, axis=-1)
    attn = jax.nn.one_hot(codebook_indices, codes.shape[0], dtype=jnp.float32)
    out = jnp.einsum('bhlm,hmd->bhld', attn, v)
    # rearrange 'b h l d -> b (h d) l'
    out = jnp.transpose(out, (0, 1, 3, 2)).reshape(b, h * d, l)
    return out, codebook_indices

if __name__ == "__main__":
    import jax
    _d = setup_inputs()
    print(jax.jit(kernel)(*tuple(_d.values())))

</pallas_src>

<mosaic_0001>
#map = affine_map<(d0, d1) -> (0, 0)>
#map1 = affine_map<(d0, d1) -> (0, 0, 0)>
module attributes {stable_mosaic.version = 14 : i64} {
  func.func @sc_gather(%arg0: i32, %arg1: i32, %arg2: memref<65536x128xf32, #tpu.memory_space<hbm>>, %arg3: memref<32x9x128xi32, #tpu.memory_space<hbm>>, %arg4: memref<36864x128xf32, #tpu.memory_space<hbm>>, %arg5: memref<9x128xi32, #tpu.memory_space<vmem>>, %arg6: memref<2x128x128xf32, #tpu.memory_space<vmem>>, %arg7: memref<!tpu.dma_semaphore, #tpu.memory_space<semaphore_mem>>, %arg8: memref<!tpu.dma_semaphore, #tpu.memory_space<semaphore_mem>>, %arg9: memref<!tpu.dma_semaphore, #tpu.memory_space<semaphore_mem>>) attributes {dimension_semantics = [#tpu.dimension_semantics<core_parallel>, #tpu.dimension_semantics<subcore_parallel>], iteration_bounds = array<i64: 2, 16>, scalar_prefetch = 0 : i64, scratch_operands = 5 : i64, tpu.core_type = #tpu.core_type<sc_vector_subcore>, window_params = [{transform_indices = #map}, {transform_indices = #map1}, {transform_indices = #map}]} {
    %mul3A = arith.constant 2 : i32
    %mul3A_0 = arith.muli %arg1, %mul3A : i32
    %add3A = arith.addi %mul3A_0, %arg0 : i32
    %mul3A_1 = arith.constant 1152 : i32
    %mul3A_2 = arith.muli %add3A, %mul3A_1 : i32
    "tpu.region"() ({
      %run_scoped3A = tpu.sem_alloc : memref<!tpu.dma_semaphore, #tpu.memory_space<semaphore_mem>>
      %dma_start3A_469 = arith.constant 0 : i32
      %dma_start3A_470 = arith.constant 0 : i32
      %dma_start3A_471 = tpu.memref_slice %arg3[%add3A, %dma_start3A_469, %dma_start3A_470] : memref<32x9x128xi32, #tpu.memory_space<hbm>> -> memref<1x9x128xi32, #tpu.memory_space<hbm>>
      %dma_start3A_472 = tpu.memref_squeeze %dma_start3A_471 : memref<1x9x128xi32, #tpu.memory_space<hbm>> -> memref<9x128xi32, #tpu.memory_space<hbm>>
      %dma_start3A_473 = arith.constant 0 : i32
      %dma_start3A_474 = arith.constant 0 : i32
      %dma_start3A_475 = tpu.memref_slice %arg3[%add3A, %dma_start3A_473, %dma_start3A_474] : memref<32x9x128xi32, #tpu.memory_space<hbm>> -> memref<1x9x128xi32, #tpu.memory_space<hbm>>
      %dma_start3A_476 = tpu.memref_squeeze %dma_start3A_475 : memref<1x9x128xi32, #tpu.memory_space<hbm>> -> memref<9x128xi32, #tpu.memory_space<hbm>>
      tpu.enqueue_dma source(%dma_start3A_476 : memref<9x128xi32, #tpu.memory_space<hbm>>) target(%arg5 : memref<9x128xi32, #tpu.memory_space<vmem>>) target_semaphore(%run_scoped3A : memref<!tpu.dma_semaphore, #tpu.memory_space<semaphore_mem>>)
      %dma_wait3A_477 = arith.constant 0 : i32
      %dma_wait3A_478 = arith.constant 0 : i32
      %dma_wait3A_479 = tpu.memref_slice %arg3[%add3A, %dma_wait3A_477, %dma_wait3A_478] : memref<32x9x128xi32, #tpu.memory_space<hbm>> -> memref<1x9x128xi32, #tpu.memory_space<hbm>>
      %dma_wait3A_480 = tpu.memref_squeeze %dma_wait3A_479 : memref<1x9x128xi32, #tpu.memory_space<hbm>> -> memref<9x128xi32, #tpu.memory_space<hbm>>
      %dma_wait3A_481 = arith.constant 0 : i32
      %dma_wait3A_482 = arith.constant 0 : i32
      %dma_wait3A_483 = tpu.memref_slice %arg3[%add3A, %dma_wait3A_481, %dma_wait3A_482] : memref<32x9x128xi32, #tpu.memory_space<hbm>> -> memref<1x9x128xi32, #tpu.memory_space<hbm>>
      %dma_wait3A_484 = tpu.memref_squeeze %dma_wait3A_483 : memref<1x9x128xi32, #tpu.memory_space<hbm>> -> memref<9x128xi32, #tpu.memory_space<hbm>>
      tpu.wait_dma2 semaphore(%run_scoped3A : memref<!tpu.dma_semaphore, #tpu.memory_space<semaphore_mem>>) src(%dma_wait3A_484 : memref<9x128xi32, #tpu.memory_space<hbm>>) dst(%arg5 : memref<9x128xi32, #tpu.memory_space<vmem>>)
      tpu.yield
    }) : () -> ()
    %dma_start3A = arith.constant 0 : i32
    %dma_start3A_3 = arith.constant 0 : i32
    %dma_start3A_4 = arith.constant 0 : i32
    %dma_start3A_5 = arith.constant 0 : i32
    %dma_start3A_6 = tpu.memref_slice %arg6[%dma_start3A_3, %dma_start3A_4, %dma_start3A_5] : memref<2x128x128xf32, #tpu.memory_space<vmem>> -> memref<1x128x128xf32, #tpu.memory_space<vmem>>
    %dma_start3A_7 = tpu.memref_squeeze %dma_start3A_6 : memref<1x128x128xf32, #tpu.memory_space<vmem>> -> memref<128x128xf32, #tpu.memory_space<vmem>>
    %dma_start3A_8 = arith.constant 0 : i32
    %dma_start3A_9 = tpu.memref_slice %arg5[%dma_start3A, %dma_start3A_8] : memref<9x128xi32, #tpu.memory_space<vmem>> -> memref<1x128xi32, #tpu.memory_space<vmem>>
    %dma_start3A_10 = tpu.memref_squeeze %dma_start3A_9 : memref<1x128xi32, #tpu.memory_space<vmem>> -> memref<128xi32, #tpu.memory_space<vmem>>
    %dma_start3A_11 = arith.constant 0 : i32
    %dma_start3A_12 = arith.constant 0 : i32
    %dma_start3A_13 = tpu.memref_slice %arg2[%dma_start3A_11, %dma_start3A_12] : memref<65536x128xf32, #tpu.memory_space<hbm>> -> memref<65536x128xf32, #tpu.memory_space<hbm>>
    tpu.enqueue_indirect_dma source(%dma_start3A_13 : memref<65536x128xf32, #tpu.memory_space<hbm>>) target(%dma_start3A_7 : memref<128x128xf32, #tpu.memory_space<vmem>>) offsets(%dma_start3A_10 : memref<128xi32, #tpu.memory_space<vmem>>) semaphore(%arg7 : memref<!tpu.dma_semaphore, #tpu.memory_space<semaphore_mem>>)
    %dma_wait3A = arith.constant 0 : i32
    %dma_wait3A_14 = arith.constant 0 : i32
    %dma_wait3A_15 = arith.constant 0 : i32
    %dma_wait3A_16 = arith.constant 0 : i32
    %dma_wait3A_17 = tpu.memref_slice %arg6[%dma_wait3A_14, %dma_wait3A_15, %dma_wait3A_16] : memref<2x128x128xf32, #tpu.memory_space<vmem>> -> memref<1x128x128xf32, #tpu.memory_space<vmem>>
    %dma_wait3A_18 = tpu.memref_squeeze %dma_wait3A_17 : memref<1x128x128xf32, #tpu.memory_space<vmem>> -> memref<128x128xf32, #tpu.memory_space<vmem>>
    %dma_wait3A_19 = arith.constant 0 : i32
    %dma_wait3A_20 = tpu.memref_slice %arg5[%dma_wait3A, %dma_wait3A_19] : memref<9x128xi32, #tpu.memory_space<vmem>> -> memref<1x128xi32, #tpu.memory_space<vmem>>
    %dma_wait3A_21 = tpu.memref_squeeze %dma_wait3A_20 : memref<1x128xi32, #tpu.memory_space<vmem>> -> memref<128xi32, #tpu.memory_space<vmem>>
    %dma_wait3A_22 = arith.constant 0 : i32
    %dma_wait3A_23 = arith.constant 0 : i32
    %dma_wait3A_24 = tpu.memref_slice %arg2[%dma_wait3A_22, %dma_wait3A_23] : memref<65536x128xf32, #tpu.memory_space<hbm>> -> memref<65536x128xf32, #tpu.memory_space<hbm>>
    tpu.wait_indirect_dma semaphore(%arg7 : memref<!tpu.dma_semaphore, #tpu.memory_space<semaphore_mem>>) src(%dma_wait3A_24 : memref<65536x128xf32, #tpu.memory_space<hbm>>) dst(%dma_wait3A_18 : memref<128x128xf32, #tpu.memory_space<vmem>>)
    %dma_start3A_25 = arith.constant 1 : i32
    %dma_start3A_26 = arith.constant 1 : i32
    %dma_start3A_27 = arith.constant 0 : i32
    %dma_start3A_28 = arith.constant 0 : i32
    %dma_start3A_29 = tpu.memref_slice %arg6[%dma_start3A_26, %dma_start3A_27, %dma_start3A_28] : memref<2x128x128xf32, #tpu.memory_space<vmem>> -> memref<1x128x128xf32, #tpu.memory_space<vmem>>
    %dma_start3A_30 = tpu.memref_squeeze %dma_start3A_29 : memref<1x128x128xf32, #tpu.memory_space<vmem>> -> memref<128x128xf32, #tpu.memory_space<vmem>>
    %dma_start3A_31 = arith.constant 0 : i32
    %dma_start3A_32 = tpu.memref_slice %arg5[%dma_start3A_25, %dma_start3A_31] : memref<9x128xi32, #tpu.memory_space<vmem>> -> memref<1x128xi32, #tpu.memory_space<vmem>>
    %dma_start3A_33 = tpu.memref_squeeze %dma_start3A_32 : memref<1x128xi32, #tpu.memory_space<vmem>> -> memref<128xi32, #tpu.memory_space<vmem>>
    %dma_start3A_34 = arith.constant 0 : i32
    %dma_start3A_35 = arith.constant 0 : i32
    %dma_start3A_36 = tpu.memref_slice %arg2[%dma_start3A_34, %dma_start3A_35] : memref<65536x128xf32, #tpu.memory_space<hbm>> -> memref<65536x128xf32, #tpu.memory_space<hbm>>
    tpu.enqueue_indirect_dma source(%dma_start3A_36 : memref<65536x128xf32, #tpu.memory_space<hbm>>) target(%dma_start3A_30 : memref<128x128xf32, #tpu.memory_space<vmem>>) offsets(%dma_start3A_33 : memref<128xi32, #tpu.memory_space<vmem>>) semaphore(%arg7 : memref<!tpu.dma_semaphore, #tpu.memory_space<semaphore_mem>>)
    %add3A_37 = arith.constant 0 : i32
    %add3A_38 = arith.addi %mul3A_2, %add3A_37 : i32
    %dma_start3A_39 = arith.constant 0 : i32
    %dma_start3A_40 = arith.constant 0 : i32
    %dma_start3A_41 = arith.constant 0 : i32
    %dma_start3A_42 = tpu.memref_slice %arg6[%dma_start3A_39, %dma_start3A_40, %dma_start3A_41] : memref<2x128x128xf32, #tpu.memory_space<vmem>> -> memref<1x128x128xf32, #tpu.memory_space<vmem>>
    %dma_start3A_43 = tpu.memref_squeeze %dma_start3A_42 : memref<1x128x128xf32, #tpu.memory_space<vmem>> -> memref<128x128xf32, #tpu.memory_space<vmem>>
    %dma_start3A_44 = arith.constant 0 : i32
    %dma_start3A_45 = tpu.memref_slice %arg4[%add3A_38, %dma_start3A_44] : memref<36864x128xf32, #tpu.memory_space<hbm>> -> memref<128x128xf32, #tpu.memory_space<hbm>>
    %dma_start3A_46 = arith.constant 0 : i32
    %dma_start3A_47 = tpu.memref_slice %arg4[%add3A_38, %dma_start3A_46] : memref<36864x128xf32, #tpu.memory_space<hbm>> -> memref<128x128xf32, #tpu.memory_space<hbm>>
    %dma_start3A_48 = arith.constant 0 : i32
    %dma_start3A_49 = arith.constant 0 : i32
    %dma_start3A_50 = tpu.memref_slice %arg6[%dma_start3A_39, %dma_start3A_48, %dma_start3A_49] : memref<2x128x128xf32, #tpu.memory_space<vmem>> -> memref<1x128x128xf32, #tpu.memory_space<vmem>>
    %dma_start3A_51 = tpu.memref_squeeze %dma_start3A_50 : memref<1x128x128xf32, #tpu.memory_space<vmem>> -> memref<128x128xf32, #tpu.memory_space<vmem>>
    tpu.enqueue_dma source(%dma_start3A_51 : memref<128x128xf32, #tpu.memory_space<vmem>>) target(%dma_start3A_47 : memref<128x128xf32, #tpu.memory_space<hbm>>) target_semaphore(%arg8 : memref<!tpu.dma_semaphore, #tpu.memory_space<semaphore_mem>>)
    %dma_wait3A_52 = arith.constant 1 : i32
    %dma_wait3A_53 = arith.constant 1 : i32
    %dma_wait3A_54 = arith.constant 0 : i32
    %dma_wait3A_55 = arith.constant 0 : i32
    %dma_wait3A_56 = tpu.memref_slice %arg6[%dma_wait3A_53, %dma_wait3A_54, %dma_wait3A_55] : memref<2x128x128xf32, #tpu.memory_space<vmem>> -> memref<1x128x128xf32, #tpu.memory_space<vmem>>
    %dma_wait3A_57 = tpu.memref_squeeze %dma_wait3A_56 : memref<1x128x128xf32, #tpu.memory_space<vmem>> -> memref<128x128xf32, #tpu.memory_space<vmem>>
    %dma_wait3A_58 = arith.constant 0 : i32
    %dma_wait3A_59 = tpu.memref_slice %arg5[%dma_wait3A_52, %dma_wait3A_58] : memref<9x128xi32, #tpu.memory_space<vmem>> -> memref<1x128xi32, #tpu.memory_space<vmem>>
    %dma_wait3A_60 = tpu.memref_squeeze %dma_wait3A_59 : memref<1x128xi32, #tpu.memory_space<vmem>> -> memref<128xi32, #tpu.memory_space<vmem>>
    %dma_wait3A_61 = arith.constant 0 : i32
    %dma_wait3A_62 = arith.constant 0 : i32
    %dma_wait3A_63 = tpu.memref_slice %arg2[%dma_wait3A_61, %dma_wait3A_62] : memref<65536x128xf32, #tpu.memory_space<hbm>> -> memref<65536x128xf32, #tpu.memory_space<hbm>>
    tpu.wait_indirect_dma semaphore(%arg7 : memref<!tpu.dma_semaphore, #tpu.memory_space<semaphore_mem>>) src(%dma_wait3A_63 : memref<65536x128xf32, #tpu.memory_space<hbm>>) dst(%dma_wait3A_57 : memref<128x128xf32, #tpu.memory_space<vmem>>)
    %dma_wait3A_64 = arith.constant 0 : i32
    %dma_wait3A_65 = arith.constant 0 : i32
    %dma_wait3A_66 = arith.constant 0 : i32
    %dma_wait3A_67 = tpu.memref_slice %arg6[%dma_wait3A_64, %dma_wait3A_65, %dma_wait3A_66] : memref<2x128x128xf32, #tpu.memory_space<vmem>> -> memref<1x128x128xf32, #tpu.memory_space<vmem>>
    %dma_wait3A_68 = tpu.memref_squeeze %dma_wait3A_67 : memref<1x128x128xf32, #tpu.memory_space<vmem>> -> memref<128x128xf32, #tpu.memory_space<vmem>>
    %dma_wait3A_69 = arith.constant 0 : i32
    %dma_wait3A_70 = tpu.memref_slice %arg4[%add3A_38, %dma_wait3A_69] : memref<36864x128xf32, #tpu.memory_space<hbm>> -> memref<128x128xf32, #tpu.memory_space<hbm>>
    %dma_wait3A_71 = arith.constant 0 : i32
    %dma_wait3A_72 = tpu.memref_slice %arg4[%add3A_38, %dma_wait3A_71] : memref<36864x128xf32, #tpu.memory_space<hbm>> -> memref<128x128xf32, #tpu.memory_space<hbm>>
    %dma_wait3A_73 = arith.constant 0 : i32
    %dma_wait3A_74 = arith.constant 0 : i32
    %dma_wait3A_75 = tpu.memref_slice %arg6[%dma_wait3A_64, %dma_wait3A_73, %dma_wait3A_74] : memref<2x128x128xf32, #tpu.memory_space<vmem>> -> memref<1x128x128xf32, #tpu.memory_space<vmem>>
    %dma_wait3A_76 = tpu.memref_squeeze %dma_wait3A_75 : memref<1x128x128xf32, #tpu.memory_space<vmem>> -> memref<128x128xf32, #tpu.memory_space<vmem>>
    tpu.wait_dma2 semaphore(%arg8 : memref<!tpu.dma_semaphore, #tpu.memory_space<semaphore_mem>>) src(%dma_wait3A_76 : memref<128x128xf32, #tpu.memory_space<vmem>>) dst(%dma_wait3A_72 : memref<128x128xf32, #tpu.memory_space<hbm>>)
    %dma_start3A_77 = arith.constant 2 : i32
    %dma_start3A_78 = arith.constant 0 : i32
    %dma_start3A_79 = arith.constant 0 : i32
    %dma_start3A_80 = arith.constant 0 : i32
    %dma_start3A_81 = tpu.memref_slice %arg6[%dma_start3A_78, %dma_start3A_79, %dma_start3A_80] : memref<2x128x128xf32, #tpu.memory_space<vmem>> -> memref<1x128x128xf32, #tpu.memory_space<vmem>>
    %dma_start3A_82 = tpu.memref_squeeze %dma_start3A_81 : memref<1x128x128xf32, #tpu.memory_space<vmem>> -> memref<128x128xf32, #tpu.memory_space<vmem>>
    %dma_start3A_83 = arith.constant 0 : i32
    %dma_start3A_84 = tpu.memref_slice %arg5[%dma_start3A_77, %dma_start3A_83] : memref<9x128xi32, #tpu.memory_space<vmem>> -> memref<1x128xi32, #tpu.memory_space<vmem>>
    %dma_start3A_85 = tpu.memref_squeeze %dma_start3A_84 : memref<1x128xi32, #tpu.memory_space<vmem>> -> memref<128xi32, #tpu.memory_space<vmem>>
    %dma_start3A_86 = arith.constant 0 : i32
    %dma_start3A_87 = arith.constant 0 : i32
    %dma_start3A_88 = tpu.memref_slice %arg2[%dma_start3A_86, %dma_start3A_87] : memref<65536x128xf32, #tpu.memory_space<hbm>> -> memref<65536x128xf32, #tpu.memory_space<hbm>>
    tpu.enqueue_indirect_dma source(%dma_start3A_88 : memref<65536x128xf32, #tpu.memory_space<hbm>>) target(%dma_start3A_82 : memref<128x128xf32, #tpu.memory_space<vmem>>) offsets(%dma_start3A_85 : memref<128xi32, #tpu.memory_space<vmem>>) semaphore(%arg7 : memref<!tpu.dma_semaphore, #tpu.memory_space<semaphore_mem>>)
    %add3A_89 = arith.constant 128 : i32
    %add3A_90 = arith.addi %mul3A_2, %add3A_89 : i32
    %dma_start3A_91 = arith.constant 1 : i32
    %dma_start3A_92 = arith.constant 0 : i32
    %dma_start3A_93 = arith.constant 0 : i32
    %dma_start3A_94 = tpu.memref_slice %arg6[%dma_start3A_91, %dma_start3A_92, %dma_start3A_93] : memref<2x128x128xf32, #tpu.memory_space<vmem>> -> memref<1x128x128xf32, #tpu.memory_space<vmem>>
    %dma_start3A_95 = tpu.memref_squeeze %dma_start3A_94 : memref<1x128x128xf32, #tpu.memory_space<vmem>> -> memref<128x128xf32, #tpu.memory_space<vmem>>
    %dma_start3A_96 = arith.constant 0 : i32
    %dma_start3A_97 = tpu.memref_slice %arg4[%add3A_90, %dma_start3A_96] : memref<36864x128xf32, #tpu.memory_space<hbm>> -> memref<128x128xf32, #tpu.memory_space<hbm>>
    %dma_start3A_98 = arith.constant 0 : i32
    %dma_start3A_99 = tpu.memref_slice %arg4[%add3A_90, %dma_start3A_98] : memref<36864x128xf32, #tpu.memory_space<hbm>> -> memref<128x128xf32, #tpu.memory_space<hbm>>
    %dma_start3A_100 = arith.constant 0 : i32
    %dma_start3A_101 = arith.constant 0 : i32
    %dma_start3A_102 = tpu.memref_slice %arg6[%dma_start3A_91, %dma_start3A_100, %dma_start3A_101] : memref<2x128x128xf32, #tpu.memory_space<vmem>> -> memref<1x128x128xf32, #tpu.memory_space<vmem>>
    %dma_start3A_103 = tpu.memref_squeeze %dma_start3A_102 : memref<1x128x128xf32, #tpu.memory_space<vmem>> -> memref<128x128xf32, #tpu.memory_space<vmem>>
    tpu.enqueue_dma source(%dma_start3A_103 : memref<128x128xf32, #tpu.memory_space<vmem>>) target(%dma_start3A_99 : memref<128x128xf32, #tpu.memory_space<hbm>>) target_semaphore(%arg9 : memref<!tpu.dma_semaphore, #tpu.memory_space<semaphore_mem>>)
    %dma_wait3A_104 = arith.constant 2 : i32
    %dma_wait3A_105 = arith.constant 0 : i32
    %dma_wait3A_106 = arith.constant 0 : i32
    %dma_wait3A_107 = arith.constant 0 : i32
    %dma_wait3A_108 = tpu.memref_slice %arg6[%dma_wait3A_105, %dma_wait3A_106, %dma_wait3A_107] : memref<2x128x128xf32, #tpu.memory_space<vmem>> -> memref<1x128x128xf32, #tpu.memory_space<vmem>>
    %dma_wait3A_109 = tpu.memref_squeeze %dma_wait3A_108 : memref<1x128x128xf32, #tpu.memory_space<vmem>> -> memref<128x128xf32, #tpu.memory_space<vmem>>
    %dma_wait3A_110 = arith.constant 0 : i32
    %dma_wait3A_111 = tpu.memref_slice %arg5[%dma_wait3A_104, %dma_wait3A_110] : memref<9x128xi32, #tpu.memory_space<vmem>> -> memref<1x128xi32, #tpu.memory_space<vmem>>
    %dma_wait3A_112 = tpu.memref_squeeze %dma_wait3A_111 : memref<1x128xi32, #tpu.memory_space<vmem>> -> memref<128xi32, #tpu.memory_space<vmem>>
    %dma_wait3A_113 = arith.constant 0 : i32
    %dma_wait3A_114 = arith.constant 0 : i32
    %dma_wait3A_115 = tpu.memref_slice %arg2[%dma_wait3A_113, %dma_wait3A_114] : memref<65536x128xf32, #tpu.memory_space<hbm>> -> memref<65536x128xf32, #tpu.memory_space<hbm>>
    tpu.wait_indirect_dma semaphore(%arg7 : memref<!tpu.dma_semaphore, #tpu.memory_space<semaphore_mem>>) src(%dma_wait3A_115 : memref<65536x128xf32, #tpu.memory_space<hbm>>) dst(%dma_wait3A_109 : memref<128x128xf32, #tpu.memory_space<vmem>>)
    %dma_wait3A_116 = arith.constant 1 : i32
    %dma_wait3A_117 = arith.constant 0 : i32
    %dma_wait3A_118 = arith.constant 0 : i32
    %dma_wait3A_119 = tpu.memref_slice %arg6[%dma_wait3A_116, %dma_wait3A_117, %dma_wait3A_118] : memref<2x128x128xf32, #tpu.memory_space<vmem>> -> memref<1x128x128xf32, #tpu.memory_space<vmem>>
    %dma_wait3A_120 = tpu.memref_squeeze %dma_wait3A_119 : memref<1x128x128xf32, #tpu.memory_space<vmem>> -> memref<128x128xf32, #tpu.memory_space<vmem>>
    %dma_wait3A_121 = arith.constant 0 : i32
    %dma_wait3A_122 = tpu.memref_slice %arg4[%add3A_90, %dma_wait3A_121] : memref<36864x128xf32, #tpu.memory_space<hbm>> -> memref<128x128xf32, #tpu.memory_space<hbm>>
    %dma_wait3A_123 = arith.constant 0 : i32
    %dma_wait3A_124 = tpu.memref_slice %arg4[%add3A_90, %dma_wait3A_123] : memref<36864x128xf32, #tpu.memory_space<hbm>> -> memref<128x128xf32, #tpu.memory_space<hbm>>
    %dma_wait3A_125 = arith.constant 0 : i32
    %dma_wait3A_126 = arith.constant 0 : i32
    %dma_wait3A_127 = tpu.memref_slice %arg6[%dma_wait3A_116, %dma_wait3A_125, %dma_wait3A_126] : memref<2x128x128xf32, #tpu.memory_space<vmem>> -> memref<1x128x128xf32, #tpu.memory_space<vmem>>
    %dma_wait3A_128 = tpu.memref_squeeze %dma_wait3A_127 : memref<1x128x128xf32, #tpu.memory_space<vmem>> -> memref<128x128xf32, #tpu.memory_space<vmem>>
    tpu.wait_dma2 semaphore(%arg9 : memref<!tpu.dma_semaphore, #tpu.memory_space<semaphore_mem>>) src(%dma_wait3A_128 : memref<128x128xf32, #tpu.memory_space<vmem>>) dst(%dma_wait3A_124 : memref<128x128xf32, #tpu.memory_space<hbm>>)
    %dma_start3A_129 = arith.constant 3 : i32
    %dma_start3A_130 = arith.constant 1 : i32
    %dma_start3A_131 = arith.constant 0 : i32
    %dma_start3A_132 = arith.constant 0 : i32
    %dma_start3A_133 = tpu.memref_slice %arg6[%dma_start3A_130, %dma_start3A_131, %dma_start3A_132] : memref<2x128x128xf32, #tpu.memory_space<vmem>> -> memref<1x128x128xf32, #tpu.memory_space<vmem>>
    %dma_start3A_134 = tpu.memref_squeeze %dma_start3A_133 : memref<1x128x128xf32, #tpu.memory_space<vmem>> -> memref<128x128xf32, #tpu.memory_space<vmem>>
    %dma_start3A_135 = arith.constant 0 : i32
    %dma_start3A_136 = tpu.memref_slice %arg5[%dma_start3A_129, %dma_start3A_135] : memref<9x128xi32, #tpu.memory_space<vmem>> -> memref<1x128xi32, #tpu.memory_space<vmem>>
    %dma_start3A_137 = tpu.memref_squeeze %dma_start3A_136 : memref<1x128xi32, #tpu.memory_space<vmem>> -> memref<128xi32, #tpu.memory_space<vmem>>
    %dma_start3A_138 = arith.constant 0 : i32
    %dma_start3A_139 = arith.constant 0 : i32
    %dma_start3A_140 = tpu.memref_slice %arg2[%dma_start3A_138, %dma_start3A_139] : memref<65536x128xf32, #tpu.memory_space<hbm>> -> memref<65536x128xf32, #tpu.memory_space<hbm>>
    tpu.enqueue_indirect_dma source(%dma_start3A_140 : memref<65536x128xf32, #tpu.memory_space<hbm>>) target(%dma_start3A_134 : memref<128x128xf32, #tpu.memory_space<vmem>>) offsets(%dma_start3A_137 : memref<128xi32, #tpu.memory_space<vmem>>) semaphore(%arg7 : memref<!tpu.dma_semaphore, #tpu.memory_space<semaphore_mem>>)
    %add3A_141 = arith.constant 256 : i32
    %add3A_142 = arith.addi %mul3A_2, %add3A_141 : i32
    %dma_start3A_143 = arith.constant 0 : i32
    %dma_start3A_144 = arith.constant 0 : i32
    %dma_start3A_145 = arith.constant 0 : i32
    %dma_start3A_146 = tpu.memref_slice %arg6[%dma_start3A_143, %dma_start3A_144, %dma_start3A_145] : memref<2x128x128xf32, #tpu.memory_space<vmem>> -> memref<1x128x128xf32, #tpu.memory_space<vmem>>
    %dma_start3A_147 = tpu.memref_squeeze %dma_start3A_146 : memref<1x128x128xf32, #tpu.memory_space<vmem>> -> memref<128x128xf32, #tpu.memory_space<vmem>>
    %dma_start3A_148 = arith.constant 0 : i32
    %dma_start3A_149 = tpu.memref_slice %arg4[%add3A_142, %dma_start3A_148] : memref<36864x128xf32, #tpu.memory_space<hbm>> -> memref<128x128xf32, #tpu.memory_space<hbm>>
    %dma_start3A_150 = arith.constant 0 : i32
    %dma_start3A_151 = tpu.memref_slice %arg4[%add3A_142, %dma_start3A_150] : memref<36864x128xf32, #tpu.memory_space<hbm>> -> memref<128x128xf32, #tpu.memory_space<hbm>>
    %dma_start3A_152 = arith.constant 0 : i32
    %dma_start3A_153 = arith.constant 0 : i32
    %dma_start3A_154 = tpu.memref_slice %arg6[%dma_start3A_143, %dma_start3A_152, %dma_start3A_153] : memref<2x128x128xf32, #tpu.memory_space<vmem>> -> memref<1x128x128xf32, #tpu.memory_space<vmem>>
    %dma_start3A_155 = tpu.memref_squeeze %dma_start3A_154 : memref<1x128x128xf32, #tpu.memory_space<vmem>> -> memref<128x128xf32, #tpu.memory_space<vmem>>
    tpu.enqueue_dma source(%dma_start3A_155 : memref<128x128xf32, #tpu.memory_space<vmem>>) target(%dma_start3A_151 : memref<128x128xf32, #tpu.memory_space<hbm>>) target_semaphore(%arg8 : memref<!tpu.dma_semaphore, #tpu.memory_space<semaphore_mem>>)
    %dma_wait3A_156 = arith.constant 3 : i32
    %dma_wait3A_157 = arith.constant 1 : i32
    %dma_wait3A_158 = arith.constant 0 : i32
    %dma_wait3A_159 = arith.constant 0 : i32
    %dma_wait3A_160 = tpu.memref_slice %arg6[%dma_wait3A_157, %dma_wait3A_158, %dma_wait3A_159] : memref<2x128x128xf32, #tpu.memory_space<vmem>> -> memref<1x128x128xf32, #tpu.memory_space<vmem>>
    %dma_wait3A_161 = tpu.memref_squeeze %dma_wait3A_160 : memref<1x128x128xf32, #tpu.memory_space<vmem>> -> memref<128x128xf32, #tpu.memory_space<vmem>>
    %dma_wait3A_162 = arith.constant 0 : i32
    %dma_wait3A_163 = tpu.memref_slice %arg5[%dma_wait3A_156, %dma_wait3A_162] : memref<9x128xi32, #tpu.memory_space<vmem>> -> memref<1x128xi32, #tpu.memory_space<vmem>>
    %dma_wait3A_164 = tpu.memref_squeeze %dma_wait3A_163 : memref<1x128xi32, #tpu.memory_space<vmem>> -> memref<128xi32, #tpu.memory_space<vmem>>
    %dma_wait3A_165 = arith.constant 0 : i32
    %dma_wait3A_166 = arith.constant 0 : i32
    %dma_wait3A_167 = tpu.memref_slice %arg2[%dma_wait3A_165, %dma_wait3A_166] : memref<65536x128xf32, #tpu.memory_space<hbm>> -> memref<65536x128xf32, #tpu.memory_space<hbm>>
    tpu.wait_indirect_dma semaphore(%arg7 : memref<!tpu.dma_semaphore, #tpu.memory_space<semaphore_mem>>) src(%dma_wait3A_167 : memref<65536x128xf32, #tpu.memory_space<hbm>>) dst(%dma_wait3A_161 : memref<128x128xf32, #tpu.memory_space<vmem>>)
    %dma_wait3A_168 = arith.constant 0 : i32
    %dma_wait3A_169 = arith.constant 0 : i32
    %dma_wait3A_170 = arith.constant 0 : i32
    %dma_wait3A_171 = tpu.memref_slice %arg6[%dma_wait3A_168, %dma_wait3A_169, %dma_wait3A_170] : memref<2x128x128xf32, #tpu.memory_space<vmem>> -> memref<1x128x128xf32, #tpu.memory_space<vmem>>
    %dma_wait3A_172 = tpu.memref_squeeze %dma_wait3A_171 : memref<1x128x128xf32, #tpu.memory_space<vmem>> -> memref<128x128xf32, #tpu.memory_space<vmem>>
    %dma_wait3A_173 = arith.constant 0 : i32
    %dma_wait3A_174 = tpu.memref_slice %arg4[%add3A_142, %dma_wait3A_173] : memref<36864x128xf32, #tpu.memory_space<hbm>> -> memref<128x128xf32, #tpu.memory_space<hbm>>
    %dma_wait3A_175 = arith.constant 0 : i32
    %dma_wait3A_176 = tpu.memref_slice %arg4[%add3A_142, %dma_wait3A_175] : memref<36864x128xf32, #tpu.memory_space<hbm>> -> memref<128x128xf32, #tpu.memory_space<hbm>>
    %dma_wait3A_177 = arith.constant 0 : i32
    %dma_wait3A_178 = arith.constant 0 : i32
    %dma_wait3A_179 = tpu.memref_slice %arg6[%dma_wait3A_168, %dma_wait3A_177, %dma_wait3A_178] : memref<2x128x128xf32, #tpu.memory_space<vmem>> -> memref<1x128x128xf32, #tpu.memory_space<vmem>>
    %dma_wait3A_180 = tpu.memref_squeeze %dma_wait3A_179 : memref<1x128x128xf32, #tpu.memory_space<vmem>> -> memref<128x128xf32, #tpu.memory_space<vmem>>
    tpu.wait_dma2 semaphore(%arg8 : memref<!tpu.dma_semaphore, #tpu.memory_space<semaphore_mem>>) src(%dma_wait3A_180 : memref<128x128xf32, #tpu.memory_space<vmem>>) dst(%dma_wait3A_176 : memref<128x128xf32, #tpu.memory_space<hbm>>)
    %dma_start3A_181 = arith.constant 4 : i32
    %dma_start3A_182 = arith.constant 0 : i32
    %dma_start3A_183 = arith.constant 0 : i32
    %dma_start3A_184 = arith.constant 0 : i32
    %dma_start3A_185 = tpu.memref_slice %arg6[%dma_start3A_182, %dma_start3A_183, %dma_start3A_184] : memref<2x128x128xf32, #tpu.memory_space<vmem>> -> memref<1x128x128xf32, #tpu.memory_space<vmem>>
    %dma_start3A_186 = tpu.memref_squeeze %dma_start3A_185 : memref<1x128x128xf32, #tpu.memory_space<vmem>> -> memref<128x128xf32, #tpu.memory_space<vmem>>
    %dma_start3A_187 = arith.constant 0 : i32
    %dma_start3A_188 = tpu.memref_slice %arg5[%dma_start3A_181, %dma_start3A_187] : memref<9x128xi32, #tpu.memory_space<vmem>> -> memref<1x128xi32, #tpu.memory_space<vmem>>
    %dma_start3A_189 = tpu.memref_squeeze %dma_start3A_188 : memref<1x128xi32, #tpu.memory_space<vmem>> -> memref<128xi32, #tpu.memory_space<vmem>>
    %dma_start3A_190 = arith.constant 0 : i32
    %dma_start3A_191 = arith.constant 0 : i32
    %dma_start3A_192 = tpu.memref_slice %arg2[%dma_start3A_190, %dma_start3A_191] : memref<65536x128xf32, #tpu.memory_space<hbm>> -> memref<65536x128xf32, #tpu.memory_space<hbm>>
    tpu.enqueue_indirect_dma source(%dma_start3A_192 : memref<65536x128xf32, #tpu.memory_space<hbm>>) target(%dma_start3A_186 : memref<128x128xf32, #tpu.memory_space<vmem>>) offsets(%dma_start3A_189 : memref<128xi32, #tpu.memory_space<vmem>>) semaphore(%arg7 : memref<!tpu.dma_semaphore, #tpu.memory_space<semaphore_mem>>)
    %add3A_193 = arith.constant 384 : i32
    %add3A_194 = arith.addi %mul3A_2, %add3A_193 : i32
    %dma_start3A_195 = arith.constant 1 : i32
    %dma_start3A_196 = arith.constant 0 : i32
    %dma_start3A_197 = arith.constant 0 : i32
    %dma_start3A_198 = tpu.memref_slice %arg6[%dma_start3A_195, %dma_start3A_196, %dma_start3A_197] : memref<2x128x128xf32, #tpu.memory_space<vmem>> -> memref<1x128x128xf32, #tpu.memory_space<vmem>>
    %dma_start3A_199 = tpu.memref_squeeze %dma_start3A_198 : memref<1x128x128xf32, #tpu.memory_space<vmem>> -> memref<128x128xf32, #tpu.memory_space<vmem>>
    %dma_start3A_200 = arith.constant 0 : i32
    %dma_start3A_201 = tpu.memref_slice %arg4[%add3A_194, %dma_start3A_200] : memref<36864x128xf32, #tpu.memory_space<hbm>> -> memref<128x128xf32, #tpu.memory_space<hbm>>
    %dma_start3A_202 = arith.constant 0 : i32
    %dma_start3A_203 = tpu.memref_slice %arg4[%add3A_194, %dma_start3A_202] : memref<36864x128xf32, #tpu.memory_space<hbm>> -> memref<128x128xf32, #tpu.memory_space<hbm>>
    %dma_start3A_204 = arith.constant 0 : i32
    %dma_start3A_205 = arith.constant 0 : i32
    %dma_start3A_206 = tpu.memref_slice %arg6[%dma_start3A_195, %dma_start3A_204, %dma_start3A_205] : memref<2x128x128xf32, #tpu.memory_space<vmem>> -> memref<1x128x128xf32, #tpu.memory_space<vmem>>
    %dma_start3A_207 = tpu.memref_squeeze %dma_start3A_206 : memref<1x128x128xf32, #tpu.memory_space<vmem>> -> memref<128x128xf32, #tpu.memory_space<vmem>>
    tpu.enqueue_dma source(%dma_start3A_207 : memref<128x128xf32, #tpu.memory_space<vmem>>) target(%dma_start3A_203 : memref<128x128xf32, #tpu.memory_space<hbm>>) target_semaphore(%arg9 : memref<!tpu.dma_semaphore, #tpu.memory_space<semaphore_mem>>)
    %dma_wait3A_208 = arith.constant 4 : i32
    %dma_wait3A_209 = arith.constant 0 : i32
    %dma_wait3A_210 = arith.constant 0 : i32
    %dma_wait3A_211 = arith.constant 0 : i32
    %dma_wait3A_212 = tpu.memref_slice %arg6[%dma_wait3A_209, %dma_wait3A_210, %dma_wait3A_211] : memref<2x128x128xf32, #tpu.memory_space<vmem>> -> memref<1x128x128xf32, #tpu.memory_space<vmem>>
    %dma_wait3A_213 = tpu.memref_squeeze %dma_wait3A_212 : memref<1x128x128xf32, #tpu.memory_space<vmem>> -> memref<128x128xf32, #tpu.memory_space<vmem>>
    %dma_wait3A_214 = arith.constant 0 : i32
    %dma_wait3A_215 = tpu.memref_slice %arg5[%dma_wait3A_208, %dma_wait3A_214] : memref<9x128xi32, #tpu.memory_space<vmem>> -> memref<1x128xi32, #tpu.memory_space<vmem>>
    %dma_wait3A_216 = tpu.memref_squeeze %dma_wait3A_215 : memref<1x128xi32, #tpu.memory_space<vmem>> -> memref<128xi32, #tpu.memory_space<vmem>>
    %dma_wait3A_217 = arith.constant 0 : i32
    %dma_wait3A_218 = arith.constant 0 : i32
    %dma_wait3A_219 = tpu.memref_slice %arg2[%dma_wait3A_217, %dma_wait3A_218] : memref<65536x128xf32, #tpu.memory_space<hbm>> -> memref<65536x128xf32, #tpu.memory_space<hbm>>
    tpu.wait_indirect_dma semaphore(%arg7 : memref<!tpu.dma_semaphore, #tpu.memory_space<semaphore_mem>>) src(%dma_wait3A_219 : memref<65536x128xf32, #tpu.memory_space<hbm>>) dst(%dma_wait3A_213 : memref<128x128xf32, #tpu.memory_space<vmem>>)
    %dma_wait3A_220 = arith.constant 1 : i32
    %dma_wait3A_221 = arith.constant 0 : i32
    %dma_wait3A_222 = arith.constant 0 : i32
    %dma_wait3A_223 = tpu.memref_slice %arg6[%dma_wait3A_220, %dma_wait3A_221, %dma_wait3A_222] : memref<2x128x128xf32, #tpu.memory_space<vmem>> -> memref<1x128x128xf32, #tpu.memory_space<vmem>>
    %dma_wait3A_224 = tpu.memref_squeeze %dma_wait3A_223 : memref<1x128x128xf32, #tpu.memory_space<vmem>> -> memref<128x128xf32, #tpu.memory_space<vmem>>
    %dma_wait3A_225 = arith.constant 0 : i32
    %dma_wait3A_226 = tpu.memref_slice %arg4[%add3A_194, %dma_wait3A_225] : memref<36864x128xf32, #tpu.memory_space<hbm>> -> memref<128x128xf32, #tpu.memory_space<hbm>>
    %dma_wait3A_227 = arith.constant 0 : i32
    %dma_wait3A_228 = tpu.memref_slice %arg4[%add3A_194, %dma_wait3A_227] : memref<36864x128xf32, #tpu.memory_space<hbm>> -> memref<128x128xf32, #tpu.memory_space<hbm>>
    %dma_wait3A_229 = arith.constant 0 : i32
    %dma_wait3A_230 = arith.constant 0 : i32
    %dma_wait3A_231 = tpu.memref_slice %arg6[%dma_wait3A_220, %dma_wait3A_229, %dma_wait3A_230] : memref<2x128x128xf32, #tpu.memory_space<vmem>> -> memref<1x128x128xf32, #tpu.memory_space<vmem>>
    %dma_wait3A_232 = tpu.memref_squeeze %dma_wait3A_231 : memref<1x128x128xf32, #tpu.memory_space<vmem>> -> memref<128x128xf32, #tpu.memory_space<vmem>>
    tpu.wait_dma2 semaphore(%arg9 : memref<!tpu.dma_semaphore, #tpu.memory_space<semaphore_mem>>) src(%dma_wait3A_232 : memref<128x128xf32, #tpu.memory_space<vmem>>) dst(%dma_wait3A_228 : memref<128x128xf32, #tpu.memory_space<hbm>>)
    %dma_start3A_233 = arith.constant 5 : i32
    %dma_start3A_234 = arith.constant 1 : i32
    %dma_start3A_235 = arith.constant 0 : i32
    %dma_start3A_236 = arith.constant 0 : i32
    %dma_start3A_237 = tpu.memref_slice %arg6[%dma_start3A_234, %dma_start3A_235, %dma_start3A_236] : memref<2x128x128xf32, #tpu.memory_space<vmem>> -> memref<1x128x128xf32, #tpu.memory_space<vmem>>
    %dma_start3A_238 = tpu.memref_squeeze %dma_start3A_237 : memref<1x128x128xf32, #tpu.memory_space<vmem>> -> memref<128x128xf32, #tpu.memory_space<vmem>>
    %dma_start3A_239 = arith.constant 0 : i32
    %dma_start3A_240 = tpu.memref_slice %arg5[%dma_start3A_233, %dma_start3A_239] : memref<9x128xi32, #tpu.memory_space<vmem>> -> memref<1x128xi32, #tpu.memory_space<vmem>>
    %dma_start3A_241 = tpu.memref_squeeze %dma_start3A_240 : memref<1x128xi32, #tpu.memory_space<vmem>> -> memref<128xi32, #tpu.memory_space<vmem>>
    %dma_start3A_242 = arith.constant 0 : i32
    %dma_start3A_243 = arith.constant 0 : i32
    %dma_start3A_244 = tpu.memref_slice %arg2[%dma_start3A_242, %dma_start3A_243] : memref<65536x128xf32, #tpu.memory_space<hbm>> -> memref<65536x128xf32, #tpu.memory_space<hbm>>
    tpu.enqueue_indirect_dma source(%dma_start3A_244 : memref<65536x128xf32, #tpu.memory_space<hbm>>) target(%dma_start3A_238 : memref<128x128xf32, #tpu.memory_space<vmem>>) offsets(%dma_start3A_241 : memref<128xi32, #tpu.memory_space<vmem>>) semaphore(%arg7 : memref<!tpu.dma_semaphore, #tpu.memory_space<semaphore_mem>>)
    %add3A_245 = arith.constant 512 : i32
    %add3A_246 = arith.addi %mul3A_2, %add3A_245 : i32
    %dma_start3A_247 = arith.constant 0 : i32
    %dma_start3A_248 = arith.constant 0 : i32
    %dma_start3A_249 = arith.constant 0 : i32
    %dma_start3A_250 = tpu.memref_slice %arg6[%dma_start3A_247, %dma_start3A_248, %dma_start3A_249] : memref<2x128x128xf32, #tpu.memory_space<vmem>> -> memref<1x128x128xf32, #tpu.memory_space<vmem>>
    %dma_start3A_251 = tpu.memref_squeeze %dma_start3A_250 : memref<1x128x128xf32, #tpu.memory_space<vmem>> -> memref<128x128xf32, #tpu.memory_space<vmem>>
    %dma_start3A_252 = arith.constant 0 : i32
    %dma_start3A_253 = tpu.memref_slice %arg4[%add3A_246, %dma_start3A_252] : memref<36864x128xf32, #tpu.memory_space<hbm>> -> memref<128x128xf32, #tpu.memory_space<hbm>>
    %dma_start3A_254 = arith.constant 0 : i32
    %dma_start3A_255 = tpu.memref_slice %arg4[%add3A_246, %dma_start3A_254] : memref<36864x128xf32, #tpu.memory_space<hbm>> -> memref<128x128xf32, #tpu.memory_space<hbm>>
    %dma_start3A_256 = arith.constant 0 : i32
    %dma_start3A_257 = arith.constant 0 : i32
    %dma_start3A_258 = tpu.memref_slice %arg6[%dma_start3A_247, %dma_start3A_256, %dma_start3A_257] : memref<2x128x128xf32, #tpu.memory_space<vmem>> -> memref<1x128x128xf32, #tpu.memory_space<vmem>>
    %dma_start3A_259 = tpu.memref_squeeze %dma_start3A_258 : memref<1x128x128xf32, #tpu.memory_space<vmem>> -> memref<128x128xf32, #tpu.memory_space<vmem>>
    tpu.enqueue_dma source(%dma_start3A_259 : memref<128x128xf32, #tpu.memory_space<vmem>>) target(%dma_start3A_255 : memref<128x128xf32, #tpu.memory_space<hbm>>) target_semaphore(%arg8 : memref<!tpu.dma_semaphore, #tpu.memory_space<semaphore_mem>>)
    %dma_wait3A_260 = arith.constant 5 : i32
    %dma_wait3A_261 = arith.constant 1 : i32
    %dma_wait3A_262 = arith.constant 0 : i32
    %dma_wait3A_263 = arith.constant 0 : i32
    %dma_wait3A_264 = tpu.memref_slice %arg6[%dma_wait3A_261, %dma_wait3A_262, %dma_wait3A_263] : memref<2x128x128xf32, #tpu.memory_space<vmem>> -> memref<1x128x128xf32, #tpu.memory_space<vmem>>
    %dma_wait3A_265 = tpu.memref_squeeze %dma_wait3A_264 : memref<1x128x128xf32, #tpu.memory_space<vmem>> -> memref<128x128xf32, #tpu.memory_space<vmem>>
    %dma_wait3A_266 = arith.constant 0 : i32
    %dma_wait3A_267 = tpu.memref_slice %arg5[%dma_wait3A_260, %dma_wait3A_266] : memref<9x128xi32, #tpu.memory_space<vmem>> -> memref<1x128xi32, #tpu.memory_space<vmem>>
    %dma_wait3A_268 = tpu.memref_squeeze %dma_wait3A_267 : memref<1x128xi32, #tpu.memory_space<vmem>> -> memref<128xi32, #tpu.memory_space<vmem>>
    %dma_wait3A_269 = arith.constant 0 : i32
    %dma_wait3A_270 = arith.constant 0 : i32
    %dma_wait3A_271 = tpu.memref_slice %arg2[%dma_wait3A_269, %dma_wait3A_270] : memref<65536x128xf32, #tpu.memory_space<hbm>> -> memref<65536x128xf32, #tpu.memory_space<hbm>>
    tpu.wait_indirect_dma semaphore(%arg7 : memref<!tpu.dma_semaphore, #tpu.memory_space<semaphore_mem>>) src(%dma_wait3A_271 : memref<65536x128xf32, #tpu.memory_space<hbm>>) dst(%dma_wait3A_265 : memref<128x128xf32, #tpu.memory_space<vmem>>)
    %dma_wait3A_272 = arith.constant 0 : i32
    %dma_wait3A_273 = arith.constant 0 : i32
    %dma_wait3A_274 = arith.constant 0 : i32
    %dma_wait3A_275 = tpu.memref_slice %arg6[%dma_wait3A_272, %dma_wait3A_273, %dma_wait3A_274] : memref<2x128x128xf32, #tpu.memory_space<vmem>> -> memref<1x128x128xf32, #tpu.memory_space<vmem>>
    %dma_wait3A_276 = tpu.memref_squeeze %dma_wait3A_275 : memref<1x128x128xf32, #tpu.memory_space<vmem>> -> memref<128x128xf32, #tpu.memory_space<vmem>>
    %dma_wait3A_277 = arith.constant 0 : i32
    %dma_wait3A_278 = tpu.memref_slice %arg4[%add3A_246, %dma_wait3A_277] : memref<36864x128xf32, #tpu.memory_space<hbm>> -> memref<128x128xf32, #tpu.memory_space<hbm>>
    %dma_wait3A_279 = arith.constant 0 : i32
    %dma_wait3A_280 = tpu.memref_slice %arg4[%add3A_246, %dma_wait3A_279] : memref<36864x128xf32, #tpu.memory_space<hbm>> -> memref<128x128xf32, #tpu.memory_space<hbm>>
    %dma_wait3A_281 = arith.constant 0 : i32
    %dma_wait3A_282 = arith.constant 0 : i32
    %dma_wait3A_283 = tpu.memref_slice %arg6[%dma_wait3A_272, %dma_wait3A_281, %dma_wait3A_282] : memref<2x128x128xf32, #tpu.memory_space<vmem>> -> memref<1x128x128xf32, #tpu.memory_space<vmem>>
    %dma_wait3A_284 = tpu.memref_squeeze %dma_wait3A_283 : memref<1x128x128xf32, #tpu.memory_space<vmem>> -> memref<128x128xf32, #tpu.memory_space<vmem>>
    tpu.wait_dma2 semaphore(%arg8 : memref<!tpu.dma_semaphore, #tpu.memory_space<semaphore_mem>>) src(%dma_wait3A_284 : memref<128x128xf32, #tpu.memory_space<vmem>>) dst(%dma_wait3A_280 : memref<128x128xf32, #tpu.memory_space<hbm>>)
    %dma_start3A_285 = arith.constant 6 : i32
    %dma_start3A_286 = arith.constant 0 : i32
    %dma_start3A_287 = arith.constant 0 : i32
    %dma_start3A_288 = arith.constant 0 : i32
    %dma_start3A_289 = tpu.memref_slice %arg6[%dma_start3A_286, %dma_start3A_287, %dma_start3A_288] : memref<2x128x128xf32, #tpu.memory_space<vmem>> -> memref<1x128x128xf32, #tpu.memory_space<vmem>>
    %dma_start3A_290 = tpu.memref_squeeze %dma_start3A_289 : memref<1x128x128xf32, #tpu.memory_space<vmem>> -> memref<128x128xf32, #tpu.memory_space<vmem>>
    %dma_start3A_291 = arith.constant 0 : i32
    %dma_start3A_292 = tpu.memref_slice %arg5[%dma_start3A_285, %dma_start3A_291] : memref<9x128xi32, #tpu.memory_space<vmem>> -> memref<1x128xi32, #tpu.memory_space<vmem>>
    %dma_start3A_293 = tpu.memref_squeeze %dma_start3A_292 : memref<1x128xi32, #tpu.memory_space<vmem>> -> memref<128xi32, #tpu.memory_space<vmem>>
    %dma_start3A_294 = arith.constant 0 : i32
    %dma_start3A_295 = arith.constant 0 : i32
    %dma_start3A_296 = tpu.memref_slice %arg2[%dma_start3A_294, %dma_start3A_295] : memref<65536x128xf32, #tpu.memory_space<hbm>> -> memref<65536x128xf32, #tpu.memory_space<hbm>>
    tpu.enqueue_indirect_dma source(%dma_start3A_296 : memref<65536x128xf32, #tpu.memory_space<hbm>>) target(%dma_start3A_290 : memref<128x128xf32, #tpu.memory_space<vmem>>) offsets(%dma_start3A_293 : memref<128xi32, #tpu.memory_space<vmem>>) semaphore(%arg7 : memref<!tpu.dma_semaphore, #tpu.memory_space<semaphore_mem>>)
    %add3A_297 = arith.constant 640 : i32
    %add3A_298 = arith.addi %mul3A_2, %add3A_297 : i32
    %dma_start3A_299 = arith.constant 1 : i32
    %dma_start3A_300 = arith.constant 0 : i32
    %dma_start3A_301 = arith.constant 0 : i32
    %dma_start3A_302 = tpu.memref_slice %arg6[%dma_start3A_299, %dma_start3A_300, %dma_start3A_301] : memref<2x128x128xf32, #tpu.memory_space<vmem>> -> memref<1x128x128xf32, #tpu.memory_space<vmem>>
    %dma_start3A_303 = tpu.memref_squeeze %dma_start3A_302 : memref<1x128x128xf32, #tpu.memory_space<vmem>> -> memref<128x128xf32, #tpu.memory_space<vmem>>
    %dma_start3A_304 = arith.constant 0 : i32
    %dma_start3A_305 = tpu.memref_slice %arg4[%add3A_298, %dma_start3A_304] : memref<36864x128xf32, #tpu.memory_space<hbm>> -> memref<128x128xf32, #tpu.memory_space<hbm>>
    %dma_start3A_306 = arith.constant 0 : i32
    %dma_start3A_307 = tpu.memref_slice %arg4[%add3A_298, %dma_start3A_306] : memref<36864x128xf32, #tpu.memory_space<hbm>> -> memref<128x128xf32, #tpu.memory_space<hbm>>
    %dma_start3A_308 = arith.constant 0 : i32
    %dma_start3A_309 = arith.constant 0 : i32
    %dma_start3A_310 = tpu.memref_slice %arg6[%dma_start3A_299, %dma_start3A_308, %dma_start3A_309] : memref<2x128x128xf32, #tpu.memory_space<vmem>> -> memref<1x128x128xf32, #tpu.memory_space<vmem>>
    %dma_start3A_311 = tpu.memref_squeeze %dma_start3A_310 : memref<1x128x128xf32, #tpu.memory_space<vmem>> -> memref<128x128xf32, #tpu.memory_space<vmem>>
    tpu.enqueue_dma source(%dma_start3A_311 : memref<128x128xf32, #tpu.memory_space<vmem>>) target(%dma_start3A_307 : memref<128x128xf32, #tpu.memory_space<hbm>>) target_semaphore(%arg9 : memref<!tpu.dma_semaphore, #tpu.memory_space<semaphore_mem>>)
    %dma_wait3A_312 = arith.constant 6 : i32
    %dma_wait3A_313 = arith.constant 0 : i32
    %dma_wait3A_314 = arith.constant 0 : i32
    %dma_wait3A_315 = arith.constant 0 : i32
    %dma_wait3A_316 = tpu.memref_slice %arg6[%dma_wait3A_313, %dma_wait3A_314, %dma_wait3A_315] : memref<2x128x128xf32, #tpu.memory_space<vmem>> -> memref<1x128x128xf32, #tpu.memory_space<vmem>>
    %dma_wait3A_317 = tpu.memref_squeeze %dma_wait3A_316 : memref<1x128x128xf32, #tpu.memory_space<vmem>> -> memref<128x128xf32, #tpu.memory_space<vmem>>
    %dma_wait3A_318 = arith.constant 0 : i32
    %dma_wait3A_319 = tpu.memref_slice %arg5[%dma_wait3A_312, %dma_wait3A_318] : memref<9x128xi32, #tpu.memory_space<vmem>> -> memref<1x128xi32, #tpu.memory_space<vmem>>
    %dma_wait3A_320 = tpu.memref_squeeze %dma_wait3A_319 : memref<1x128xi32, #tpu.memory_space<vmem>> -> memref<128xi32, #tpu.memory_space<vmem>>
    %dma_wait3A_321 = arith.constant 0 : i32
    %dma_wait3A_322 = arith.constant 0 : i32
    %dma_wait3A_323 = tpu.memref_slice %arg2[%dma_wait3A_321, %dma_wait3A_322] : memref<65536x128xf32, #tpu.memory_space<hbm>> -> memref<65536x128xf32, #tpu.memory_space<hbm>>
    tpu.wait_indirect_dma semaphore(%arg7 : memref<!tpu.dma_semaphore, #tpu.memory_space<semaphore_mem>>) src(%dma_wait3A_323 : memref<65536x128xf32, #tpu.memory_space<hbm>>) dst(%dma_wait3A_317 : memref<128x128xf32, #tpu.memory_space<vmem>>)
    %dma_wait3A_324 = arith.constant 1 : i32
    %dma_wait3A_325 = arith.constant 0 : i32
    %dma_wait3A_326 = arith.constant 0 : i32
    %dma_wait3A_327 = tpu.memref_slice %arg6[%dma_wait3A_324, %dma_wait3A_325, %dma_wait3A_326] : memref<2x128x128xf32, #tpu.memory_space<vmem>> -> memref<1x128x128xf32, #tpu.memory_space<vmem>>
    %dma_wait3A_328 = tpu.memref_squeeze %dma_wait3A_327 : memref<1x128x128xf32, #tpu.memory_space<vmem>> -> memref<128x128xf32, #tpu.memory_space<vmem>>
    %dma_wait3A_329 = arith.constant 0 : i32
    %dma_wait3A_330 = tpu.memref_slice %arg4[%add3A_298, %dma_wait3A_329] : memref<36864x128xf32, #tpu.memory_space<hbm>> -> memref<128x128xf32, #tpu.memory_space<hbm>>
    %dma_wait3A_331 = arith.constant 0 : i32
    %dma_wait3A_332 = tpu.memref_slice %arg4[%add3A_298, %dma_wait3A_331] : memref<36864x128xf32, #tpu.memory_space<hbm>> -> memref<128x128xf32, #tpu.memory_space<hbm>>
    %dma_wait3A_333 = arith.constant 0 : i32
    %dma_wait3A_334 = arith.constant 0 : i32
    %dma_wait3A_335 = tpu.memref_slice %arg6[%dma_wait3A_324, %dma_wait3A_333, %dma_wait3A_334] : memref<2x128x128xf32, #tpu.memory_space<vmem>> -> memref<1x128x128xf32, #tpu.memory_space<vmem>>
    %dma_wait3A_336 = tpu.memref_squeeze %dma_wait3A_335 : memref<1x128x128xf32, #tpu.memory_space<vmem>> -> memref<128x128xf32, #tpu.memory_space<vmem>>
    tpu.wait_dma2 semaphore(%arg9 : memref<!tpu.dma_semaphore, #tpu.memory_space<semaphore_mem>>) src(%dma_wait3A_336 : memref<128x128xf32, #tpu.memory_space<vmem>>) dst(%dma_wait3A_332 : memref<128x128xf32, #tpu.memory_space<hbm>>)
    %dma_start3A_337 = arith.constant 7 : i32
    %dma_start3A_338 = arith.constant 1 : i32
    %dma_start3A_339 = arith.constant 0 : i32
    %dma_start3A_340 = arith.constant 0 : i32
    %dma_start3A_341 = tpu.memref_slice %arg6[%dma_start3A_338, %dma_start3A_339, %dma_start3A_340] : memref<2x128x128xf32, #tpu.memory_space<vmem>> -> memref<1x128x128xf32, #tpu.memory_space<vmem>>
    %dma_start3A_342 = tpu.memref_squeeze %dma_start3A_341 : memref<1x128x128xf32, #tpu.memory_space<vmem>> -> memref<128x128xf32, #tpu.memory_space<vmem>>
    %dma_start3A_343 = arith.constant 0 : i32
    %dma_start3A_344 = tpu.memref_slice %arg5[%dma_start3A_337, %dma_start3A_343] : memref<9x128xi32, #tpu.memory_space<vmem>> -> memref<1x128xi32, #tpu.memory_space<vmem>>
    %dma_start3A_345 = tpu.memref_squeeze %dma_start3A_344 : memref<1x128xi32, #tpu.memory_space<vmem>> -> memref<128xi32, #tpu.memory_space<vmem>>
    %dma_start3A_346 = arith.constant 0 : i32
    %dma_start3A_347 = arith.constant 0 : i32
    %dma_start3A_348 = tpu.memref_slice %arg2[%dma_start3A_346, %dma_start3A_347] : memref<65536x128xf32, #tpu.memory_space<hbm>> -> memref<65536x128xf32, #tpu.memory_space<hbm>>
    tpu.enqueue_indirect_dma source(%dma_start3A_348 : memref<65536x128xf32, #tpu.memory_space<hbm>>) target(%dma_start3A_342 : memref<128x128xf32, #tpu.memory_space<vmem>>) offsets(%dma_start3A_345 : memref<128xi32, #tpu.memory_space<vmem>>) semaphore(%arg7 : memref<!tpu.dma_semaphore, #tpu.memory_space<semaphore_mem>>)
    %add3A_349 = arith.constant 768 : i32
    %add3A_350 = arith.addi %mul3A_2, %add3A_349 : i32
    %dma_start3A_351 = arith.constant 0 : i32
    %dma_start3A_352 = arith.constant 0 : i32
    %dma_start3A_353 = arith.constant 0 : i32
    %dma_start3A_354 = tpu.memref_slice %arg6[%dma_start3A_351, %dma_start3A_352, %dma_start3A_353] : memref<2x128x128xf32, #tpu.memory_space<vmem>> -> memref<1x128x128xf32, #tpu.memory_space<vmem>>
    %dma_start3A_355 = tpu.memref_squeeze %dma_start3A_354 : memref<1x128x128xf32, #tpu.memory_space<vmem>> -> memref<128x128xf32, #tpu.memory_space<vmem>>
    %dma_start3A_356 = arith.constant 0 : i32
    %dma_start3A_357 = tpu.memref_slice %arg4[%add3A_350, %dma_start3A_356] : memref<36864x128xf32, #tpu.memory_space<hbm>> -> memref<128x128xf32, #tpu.memory_space<hbm>>
    %dma_start3A_358 = arith.constant 0 : i32
    %dma_start3A_359 = tpu.memref_slice %arg4[%add3A_350, %dma_start3A_358] : memref<36864x128xf32, #tpu.memory_space<hbm>> -> memref<128x128xf32, #tpu.memory_space<hbm>>
    %dma_start3A_360 = arith.constant 0 : i32
    %dma_start3A_361 = arith.constant 0 : i32
    %dma_start3A_362 = tpu.memref_slice %arg6[%dma_start3A_351, %dma_start3A_360, %dma_start3A_361] : memref<2x128x128xf32, #tpu.memory_space<vmem>> -> memref<1x128x128xf32, #tpu.memory_space<vmem>>
    %dma_start3A_363 = tpu.memref_squeeze %dma_start3A_362 : memref<1x128x128xf32, #tpu.memory_space<vmem>> -> memref<128x128xf32, #tpu.memory_space<vmem>>
    tpu.enqueue_dma source(%dma_start3A_363 : memref<128x128xf32, #tpu.memory_space<vmem>>) target(%dma_start3A_359 : memref<128x128xf32, #tpu.memory_space<hbm>>) target_semaphore(%arg8 : memref<!tpu.dma_semaphore, #tpu.memory_space<semaphore_mem>>)
    %dma_wait3A_364 = arith.constant 7 : i32
    %dma_wait3A_365 = arith.constant 1 : i32
    %dma_wait3A_366 = arith.constant 0 : i32
    %dma_wait3A_367 = arith.constant 0 : i32
    %dma_wait3A_368 = tpu.memref_slice %arg6[%dma_wait3A_365, %dma_wait3A_366, %dma_wait3A_367] : memref<2x128x128xf32, #tpu.memory_space<vmem>> -> memref<1x128x128xf32, #tpu.memory_space<vmem>>
    %dma_wait3A_369 = tpu.memref_squeeze %dma_wait3A_368 : memref<1x128x128xf32, #tpu.memory_space<vmem>> -> memref<128x128xf32, #tpu.memory_space<vmem>>
    %dma_wait3A_370 = arith.constant 0 : i32
    %dma_wait3A_371 = tpu.memref_slice %arg5[%dma_wait3A_364, %dma_wait3A_370] : memref<9x128xi32, #tpu.memory_space<vmem>> -> memref<1x128xi32, #tpu.memory_space<vmem>>
    %dma_wait3A_372 = tpu.memref_squeeze %dma_wait3A_371 : memref<1x128xi32, #tpu.memory_space<vmem>> -> memref<128xi32, #tpu.memory_space<vmem>>
    %dma_wait3A_373 = arith.constant 0 : i32
    %dma_wait3A_374 = arith.constant 0 : i32
    %dma_wait3A_375 = tpu.memref_slice %arg2[%dma_wait3A_373, %dma_wait3A_374] : memref<65536x128xf32, #tpu.memory_space<hbm>> -> memref<65536x128xf32, #tpu.memory_space<hbm>>
    tpu.wait_indirect_dma semaphore(%arg7 : memref<!tpu.dma_semaphore, #tpu.memory_space<semaphore_mem>>) src(%dma_wait3A_375 : memref<65536x128xf32, #tpu.memory_space<hbm>>) dst(%dma_wait3A_369 : memref<128x128xf32, #tpu.memory_space<vmem>>)
    %dma_wait3A_376 = arith.constant 0 : i32
    %dma_wait3A_377 = arith.constant 0 : i32
    %dma_wait3A_378 = arith.constant 0 : i32
    %dma_wait3A_379 = tpu.memref_slice %arg6[%dma_wait3A_376, %dma_wait3A_377, %dma_wait3A_378] : memref<2x128x128xf32, #tpu.memory_space<vmem>> -> memref<1x128x128xf32, #tpu.memory_space<vmem>>
    %dma_wait3A_380 = tpu.memref_squeeze %dma_wait3A_379 : memref<1x128x128xf32, #tpu.memory_space<vmem>> -> memref<128x128xf32, #tpu.memory_space<vmem>>
    %dma_wait3A_381 = arith.constant 0 : i32
    %dma_wait3A_382 = tpu.memref_slice %arg4[%add3A_350, %dma_wait3A_381] : memref<36864x128xf32, #tpu.memory_space<hbm>> -> memref<128x128xf32, #tpu.memory_space<hbm>>
    %dma_wait3A_383 = arith.constant 0 : i32
    %dma_wait3A_384 = tpu.memref_slice %arg4[%add3A_350, %dma_wait3A_383] : memref<36864x128xf32, #tpu.memory_space<hbm>> -> memref<128x128xf32, #tpu.memory_space<hbm>>
    %dma_wait3A_385 = arith.constant 0 : i32
    %dma_wait3A_386 = arith.constant 0 : i32
    %dma_wait3A_387 = tpu.memref_slice %arg6[%dma_wait3A_376, %dma_wait3A_385, %dma_wait3A_386] : memref<2x128x128xf32, #tpu.memory_space<vmem>> -> memref<1x128x128xf32, #tpu.memory_space<vmem>>
    %dma_wait3A_388 = tpu.memref_squeeze %dma_wait3A_387 : memref<1x128x128xf32, #tpu.memory_space<vmem>> -> memref<128x128xf32, #tpu.memory_space<vmem>>
    tpu.wait_dma2 semaphore(%arg8 : memref<!tpu.dma_semaphore, #tpu.memory_space<semaphore_mem>>) src(%dma_wait3A_388 : memref<128x128xf32, #tpu.memory_space<vmem>>) dst(%dma_wait3A_384 : memref<128x128xf32, #tpu.memory_space<hbm>>)
    %dma_start3A_389 = arith.constant 8 : i32
    %dma_start3A_390 = arith.constant 0 : i32
    %dma_start3A_391 = arith.constant 0 : i32
    %dma_start3A_392 = arith.constant 0 : i32
    %dma_start3A_393 = tpu.memref_slice %arg6[%dma_start3A_390, %dma_start3A_391, %dma_start3A_392] : memref<2x128x128xf32, #tpu.memory_space<vmem>> -> memref<1x128x128xf32, #tpu.memory_space<vmem>>
    %dma_start3A_394 = tpu.memref_squeeze %dma_start3A_393 : memref<1x128x128xf32, #tpu.memory_space<vmem>> -> memref<128x128xf32, #tpu.memory_space<vmem>>
    %dma_start3A_395 = arith.constant 0 : i32
    %dma_start3A_396 = tpu.memref_slice %arg5[%dma_start3A_389, %dma_start3A_395] : memref<9x128xi32, #tpu.memory_space<vmem>> -> memref<1x128xi32, #tpu.memory_space<vmem>>
    %dma_start3A_397 = tpu.memref_squeeze %dma_start3A_396 : memref<1x128xi32, #tpu.memory_space<vmem>> -> memref<128xi32, #tpu.memory_space<vmem>>
    %dma_start3A_398 = arith.constant 0 : i32
    %dma_start3A_399 = arith.constant 0 : i32
    %dma_start3A_400 = tpu.memref_slice %arg2[%dma_start3A_398, %dma_start3A_399] : memref<65536x128xf32, #tpu.memory_space<hbm>> -> memref<65536x128xf32, #tpu.memory_space<hbm>>
    tpu.enqueue_indirect_dma source(%dma_start3A_400 : memref<65536x128xf32, #tpu.memory_space<hbm>>) target(%dma_start3A_394 : memref<128x128xf32, #tpu.memory_space<vmem>>) offsets(%dma_start3A_397 : memref<128xi32, #tpu.memory_space<vmem>>) semaphore(%arg7 : memref<!tpu.dma_semaphore, #tpu.memory_space<semaphore_mem>>)
    %add3A_401 = arith.constant 896 : i32
    %add3A_402 = arith.addi %mul3A_2, %add3A_401 : i32
    %dma_start3A_403 = arith.constant 1 : i32
    %dma_start3A_404 = arith.constant 0 : i32
    %dma_start3A_405 = arith.constant 0 : i32
    %dma_start3A_406 = tpu.memref_slice %arg6[%dma_start3A_403, %dma_start3A_404, %dma_start3A_405] : memref<2x128x128xf32, #tpu.memory_space<vmem>> -> memref<1x128x128xf32, #tpu.memory_space<vmem>>
    %dma_start3A_407 = tpu.memref_squeeze %dma_start3A_406 : memref<1x128x128xf32, #tpu.memory_space<vmem>> -> memref<128x128xf32, #tpu.memory_space<vmem>>
    %dma_start3A_408 = arith.constant 0 : i32
    %dma_start3A_409 = tpu.memref_slice %arg4[%add3A_402, %dma_start3A_408] : memref<36864x128xf32, #tpu.memory_space<hbm>> -> memref<128x128xf32, #tpu.memory_space<hbm>>
    %dma_start3A_410 = arith.constant 0 : i32
    %dma_start3A_411 = tpu.memref_slice %arg4[%add3A_402, %dma_start3A_410] : memref<36864x128xf32, #tpu.memory_space<hbm>> -> memref<128x128xf32, #tpu.memory_space<hbm>>
    %dma_start3A_412 = arith.constant 0 : i32
    %dma_start3A_413 = arith.constant 0 : i32
    %dma_start3A_414 = tpu.memref_slice %arg6[%dma_start3A_403, %dma_start3A_412, %dma_start3A_413] : memref<2x128x128xf32, #tpu.memory_space<vmem>> -> memref<1x128x128xf32, #tpu.memory_space<vmem>>
    %dma_start3A_415 = tpu.memref_squeeze %dma_start3A_414 : memref<1x128x128xf32, #tpu.memory_space<vmem>> -> memref<128x128xf32, #tpu.memory_space<vmem>>
    tpu.enqueue_dma source(%dma_start3A_415 : memref<128x128xf32, #tpu.memory_space<vmem>>) target(%dma_start3A_411 : memref<128x128xf32, #tpu.memory_space<hbm>>) target_semaphore(%arg9 : memref<!tpu.dma_semaphore, #tpu.memory_space<semaphore_mem>>)
    %dma_wait3A_416 = arith.constant 8 : i32
    %dma_wait3A_417 = arith.constant 0 : i32
    %dma_wait3A_418 = arith.constant 0 : i32
    %dma_wait3A_419 = arith.constant 0 : i32
    %dma_wait3A_420 = tpu.memref_slice %arg6[%dma_wait3A_417, %dma_wait3A_418, %dma_wait3A_419] : memref<2x128x128xf32, #tpu.memory_space<vmem>> -> memref<1x128x128xf32, #tpu.memory_space<vmem>>
    %dma_wait3A_421 = tpu.memref_squeeze %dma_wait3A_420 : memref<1x128x128xf32, #tpu.memory_space<vmem>> -> memref<128x128xf32, #tpu.memory_space<vmem>>
    %dma_wait3A_422 = arith.constant 0 : i32
    %dma_wait3A_423 = tpu.memref_slice %arg5[%dma_wait3A_416, %dma_wait3A_422] : memref<9x128xi32, #tpu.memory_space<vmem>> -> memref<1x128xi32, #tpu.memory_space<vmem>>
    %dma_wait3A_424 = tpu.memref_squeeze %dma_wait3A_423 : memref<1x128xi32, #tpu.memory_space<vmem>> -> memref<128xi32, #tpu.memory_space<vmem>>
    %dma_wait3A_425 = arith.constant 0 : i32
    %dma_wait3A_426 = arith.constant 0 : i32
    %dma_wait3A_427 = tpu.memref_slice %arg2[%dma_wait3A_425, %dma_wait3A_426] : memref<65536x128xf32, #tpu.memory_space<hbm>> -> memref<65536x128xf32, #tpu.memory_space<hbm>>
    tpu.wait_indirect_dma semaphore(%arg7 : memref<!tpu.dma_semaphore, #tpu.memory_space<semaphore_mem>>) src(%dma_wait3A_427 : memref<65536x128xf32, #tpu.memory_space<hbm>>) dst(%dma_wait3A_421 : memref<128x128xf32, #tpu.memory_space<vmem>>)
    %add3A_428 = arith.constant 1024 : i32
    %add3A_429 = arith.addi %mul3A_2, %add3A_428 : i32
    %dma_start3A_430 = arith.constant 0 : i32
    %dma_start3A_431 = arith.constant 0 : i32
    %dma_start3A_432 = arith.constant 0 : i32
    %dma_start3A_433 = tpu.memref_slice %arg6[%dma_start3A_430, %dma_start3A_431, %dma_start3A_432] : memref<2x128x128xf32, #tpu.memory_space<vmem>> -> memref<1x128x128xf32, #tpu.memory_space<vmem>>
    %dma_start3A_434 = tpu.memref_squeeze %dma_start3A_433 : memref<1x128x128xf32, #tpu.memory_space<vmem>> -> memref<128x128xf32, #tpu.memory_space<vmem>>
    %dma_start3A_435 = arith.constant 0 : i32
    %dma_start3A_436 = tpu.memref_slice %arg4[%add3A_429, %dma_start3A_435] : memref<36864x128xf32, #tpu.memory_space<hbm>> -> memref<128x128xf32, #tpu.memory_space<hbm>>
    %dma_start3A_437 = arith.constant 0 : i32
    %dma_start3A_438 = tpu.memref_slice %arg4[%add3A_429, %dma_start3A_437] : memref<36864x128xf32, #tpu.memory_space<hbm>> -> memref<128x128xf32, #tpu.memory_space<hbm>>
    %dma_start3A_439 = arith.constant 0 : i32
    %dma_start3A_440 = arith.constant 0 : i32
    %dma_start3A_441 = tpu.memref_slice %arg6[%dma_start3A_430, %dma_start3A_439, %dma_start3A_440] : memref<2x128x128xf32, #tpu.memory_space<vmem>> -> memref<1x128x128xf32, #tpu.memory_space<vmem>>
    %dma_start3A_442 = tpu.memref_squeeze %dma_start3A_441 : memref<1x128x128xf32, #tpu.memory_space<vmem>> -> memref<128x128xf32, #tpu.memory_space<vmem>>
    tpu.enqueue_dma source(%dma_start3A_442 : memref<128x128xf32, #tpu.memory_space<vmem>>) target(%dma_start3A_438 : memref<128x128xf32, #tpu.memory_space<hbm>>) target_semaphore(%arg8 : memref<!tpu.dma_semaphore, #tpu.memory_space<semaphore_mem>>)
    %dma_wait3A_443 = arith.constant 0 : i32
    %dma_wait3A_444 = arith.constant 0 : i32
    %dma_wait3A_445 = arith.constant 0 : i32
    %dma_wait3A_446 = tpu.memref_slice %arg6[%dma_wait3A_443, %dma_wait3A_444, %dma_wait3A_445] : memref<2x128x128xf32, #tpu.memory_space<vmem>> -> memref<1x128x128xf32, #tpu.memory_space<vmem>>
    %dma_wait3A_447 = tpu.memref_squeeze %dma_wait3A_446 : memref<1x128x128xf32, #tpu.memory_space<vmem>> -> memref<128x128xf32, #tpu.memory_space<vmem>>
    %dma_wait3A_448 = arith.constant 0 : i32
    %dma_wait3A_449 = tpu.memref_slice %arg4[%add3A_429, %dma_wait3A_448] : memref<36864x128xf32, #tpu.memory_space<hbm>> -> memref<128x128xf32, #tpu.memory_space<hbm>>
    %dma_wait3A_450 = arith.constant 0 : i32
    %dma_wait3A_451 = tpu.memref_slice %arg4[%add3A_429, %dma_wait3A_450] : memref<36864x128xf32, #tpu.memory_space<hbm>> -> memref<128x128xf32, #tpu.memory_space<hbm>>
    %dma_wait3A_452 = arith.constant 0 : i32
    %dma_wait3A_453 = arith.constant 0 : i32
    %dma_wait3A_454 = tpu.memref_slice %arg6[%dma_wait3A_443, %dma_wait3A_452, %dma_wait3A_453] : memref<2x128x128xf32, #tpu.memory_space<vmem>> -> memref<1x128x128xf32, #tpu.memory_space<vmem>>
    %dma_wait3A_455 = tpu.memref_squeeze %dma_wait3A_454 : memref<1x128x128xf32, #tpu.memory_space<vmem>> -> memref<128x128xf32, #tpu.memory_space<vmem>>
    tpu.wait_dma2 semaphore(%arg8 : memref<!tpu.dma_semaphore, #tpu.memory_space<semaphore_mem>>) src(%dma_wait3A_455 : memref<128x128xf32, #tpu.memory_space<vmem>>) dst(%dma_wait3A_451 : memref<128x128xf32, #tpu.memory_space<hbm>>)
    %dma_wait3A_456 = arith.constant 1 : i32
    %dma_wait3A_457 = arith.constant 0 : i32
    %dma_wait3A_458 = arith.constant 0 : i32
    %dma_wait3A_459 = tpu.memref_slice %arg6[%dma_wait3A_456, %dma_wait3A_457, %dma_wait3A_458] : memref<2x128x128xf32, #tpu.memory_space<vmem>> -> memref<1x128x128xf32, #tpu.memory_space<vmem>>
    %dma_wait3A_460 = tpu.memref_squeeze %dma_wait3A_459 : memref<1x128x128xf32, #tpu.memory_space<vmem>> -> memref<128x128xf32, #tpu.memory_space<vmem>>
    %dma_wait3A_461 = arith.constant 0 : i32
    %dma_wait3A_462 = tpu.memref_slice %arg4[%add3A_402, %dma_wait3A_461] : memref<36864x128xf32, #tpu.memory_space<hbm>> -> memref<128x128xf32, #tpu.memory_space<hbm>>
    %dma_wait3A_463 = arith.constant 0 : i32
    %dma_wait3A_464 = tpu.memref_slice %arg4[%add3A_402, %dma_wait3A_463] : memref<36864x128xf32, #tpu.memory_space<hbm>> -> memref<128x128xf32, #tpu.memory_space<hbm>>
    %dma_wait3A_465 = arith.constant 0 : i32
    %dma_wait3A_466 = arith.constant 0 : i32
    %dma_wait3A_467 = tpu.memref_slice %arg6[%dma_wait3A_456, %dma_wait3A_465, %dma_wait3A_466] : memref<2x128x128xf32, #tpu.memory_space<vmem>> -> memref<1x128x128xf32, #tpu.memory_space<vmem>>
    %dma_wait3A_468 = tpu.memref_squeeze %dma_wait3A_467 : memref<1x128x128xf32, #tpu.memory_space<vmem>> -> memref<128x128xf32, #tpu.memory_space<vmem>>
    tpu.wait_dma2 semaphore(%arg9 : memref<!tpu.dma_semaphore, #tpu.memory_space<semaphore_mem>>) src(%dma_wait3A_468 : memref<128x128xf32, #tpu.memory_space<vmem>>) dst(%dma_wait3A_464 : memref<128x128xf32, #tpu.memory_space<hbm>>)
    return
  }
}

module attributes {stable_mosaic.version = 14 : i64} {
  func.func @_proj_body(%arg0: i32, %arg1: memref<1024x256xf32, #tpu.memory_space<vmem>>, %arg2: memref<256x768xf32, #tpu.memory_space<vmem>>, %arg3: memref<8x256x128xf32, #tpu.memory_space<vmem>>, %arg4: memref<8x1024x96xf32, #tpu.memory_space<vmem>>, %arg5: memref<8x1024x128xf32, #tpu.memory_space<vmem>>) attributes {dimension_semantics = [#tpu.dimension_semantics<arbitrary>], iteration_bounds = array<i64: 8>, scalar_prefetch = 0 : i64, scratch_operands = 0 : i64, tpu.core_type = #tpu.core_type<tc>, window_params = [{transform_indices = @transform_0, window_bounds = array<i64: 1024, 256>}, {pipeline_mode = #tpu.pipeline_mode<synchronous>, transform_indices = @transform_1, window_bounds = array<i64: 256, 768>}, {pipeline_mode = #tpu.pipeline_mode<synchronous>, transform_indices = @transform_2, window_bounds = array<i64: 8, 256, 128>}, {transform_indices = @transform_3, window_bounds = array<i64: 8, 1024, 96>}, {transform_indices = @transform_4, window_bounds = array<i64: 8, 1024, 128>}]} {
    %get3A = arith.constant 0 : index
    %get3A_0 = arith.constant 0 : index
    %get3A_1 = vector.load %arg1[%get3A, %get3A_0] : memref<1024x256xf32, #tpu.memory_space<vmem>>, vector<1024x256xf32>
    %get3A_2 = arith.constant 0 : index
    %get3A_3 = arith.constant 0 : index
    %get3A_4 = vector.load %arg2[%get3A_2, %get3A_3] : memref<256x768xf32, #tpu.memory_space<vmem>>, vector<256x768xf32>
    %dot_general3A = arith.constant dense<0.000000e+00> : vector<1024x768xf32>
    %dot_general3A_5 = tpu.matmul %get3A_1, %get3A_4, %dot_general3A {dimension_numbers = #tpu.dot_dimension_numbers<[1], [0], [0], [1], [0, 0, 1, 1], [], []>, transpose_lhs_hint = false} : vector<1024x256xf32>, vector<256x768xf32>, vector<1024x768xf32> -> vector<1024x768xf32>
    %slice3A = vector.extract_strided_slice %dot_general3A_5 {offsets = [0, 0], sizes = [1024, 96], strides = [1, 1]} : vector<1024x768xf32> to vector<1024x96xf32>
    %swap3A = arith.constant 0 : index
    %swap3A_6 = arith.constant 0 : index
    %swap3A_7 = arith.constant 0 : index
    %swap3A_8 = vector.load %arg4[%swap3A, %swap3A_6, %swap3A_7] : memref<8x1024x96xf32, #tpu.memory_space<vmem>>, vector<1x1024x96xf32>
    %swap3A_9 = vector.shape_cast %swap3A_8 : vector<1x1024x96xf32> to vector<1024x96xf32>
    %swap3A_10 = vector.shape_cast %slice3A : vector<1024x96xf32> to vector<1x1024x96xf32>
    tpu.vector_store %arg4[%swap3A, %swap3A_6, %swap3A_7], %swap3A_10 {strides = array<i32>} : memref<8x1024x96xf32, #tpu.memory_space<vmem>>, vector<1x1024x96xf32>,
    %slice3A_11 = vector.extract_strided_slice %dot_general3A_5 {offsets = [0, 96], sizes = [1024, 96], strides = [1, 1]} : vector<1024x768xf32> to vector<1024x96xf32>
    %swap3A_12 = arith.constant 1 : index
    %swap3A_13 = arith.constant 0 : index
    %swap3A_14 = arith.constant 0 : index
    %swap3A_15 = vector.load %arg4[%swap3A_12, %swap3A_13, %swap3A_14] : memref<8x1024x96xf32, #tpu.memory_space<vmem>>, vector<1x1024x96xf32>
    %swap3A_16 = vector.shape_cast %swap3A_15 : vector<1x1024x96xf32> to vector<1024x96xf32>
    %swap3A_17 = vector.shape_cast %slice3A_11 : vector<1024x96xf32> to vector<1x1024x96xf32>
    tpu.vector_store %arg4[%swap3A_12, %swap3A_13, %swap3A_14], %swap3A_17 {strides = array<i32>} : memref<8x1024x96xf32, #tpu.memory_space<vmem>>, vector<1x1024x96xf32>,
    %slice3A_18 = vector.extract_strided_slice %dot_general3A_5 {offsets = [0, 192], sizes = [1024, 96], strides = [1, 1]} : vector<1024x768xf32> to vector<1024x96xf32>
    %swap3A_19 = arith.constant 2 : index
    %swap3A_20 = arith.constant 0 : index
    %swap3A_21 = arith.constant 0 : index
    %swap3A_22 = vector.load %arg4[%swap3A_19, %swap3A_20, %swap3A_21] : memref<8x1024x96xf32, #tpu.memory_space<vmem>>, vector<1x1024x96xf32>
    %swap3A_23 = vector.shape_cast %swap3A_22 : vector<1x1024x96xf32> to vector<1024x96xf32>
    %swap3A_24 = vector.shape_cast %slice3A_18 : vector<1024x96xf32> to vector<1x1024x96xf32>
    tpu.vector_store %arg4[%swap3A_19, %swap3A_20, %swap3A_21], %swap3A_24 {strides = array<i32>} : memref<8x1024x96xf32, #tpu.memory_space<vmem>>, vector<1x1024x96xf32>,
    %slice3A_25 = vector.extract_strided_slice %dot_general3A_5 {offsets = [0, 288], sizes = [1024, 96], strides = [1, 1]} : vector<1024x768xf32> to vector<1024x96xf32>
    %swap3A_26 = arith.constant 3 : index
    %swap3A_27 = arith.constant 0 : index
    %swap3A_28 = arith.constant 0 : index
    %swap3A_29 = vector.load %arg4[%swap3A_26, %swap3A_27, %swap3A_28] : memref<8x1024x96xf32, #tpu.memory_space<vmem>>, vector<1x1024x96xf32>
    %swap3A_30 = vector.shape_cast %swap3A_29 : vector<1x1024x96xf32> to vector<1024x96xf32>
    %swap3A_31 = vector.shape_cast %slice3A_25 : vector<1024x96xf32> to vector<1x1024x96xf32>
    tpu.vector_store %arg4[%swap3A_26, %swap3A_27, %swap3A_28], %swap3A_31 {strides = array<i32>} : memref<8x1024x96xf32, #tpu.memory_space<vmem>>, vector<1x1024x96xf32>,
    %slice3A_32 = vector.extract_strided_slice %dot_general3A_5 {offsets = [0, 384], sizes = [1024, 96], strides = [1, 1]} : vector<1024x768xf32> to vector<1024x96xf32>
    %swap3A_33 = arith.constant 4 : index
    %swap3A_34 = arith.constant 0 : index
    %swap3A_35 = arith.constant 0 : index
    %swap3A_36 = vector.load %arg4[%swap3A_33, %swap3A_34, %swap3A_35] : memref<8x1024x96xf32, #tpu.memory_space<vmem>>, vector<1x1024x96xf32>
    %swap3A_37 = vector.shape_cast %swap3A_36 : vector<1x1024x96xf32> to vector<1024x96xf32>
    %swap3A_38 = vector.shape_cast %slice3A_32 : vector<1024x96xf32> to vector<1x1024x96xf32>
    tpu.vector_store %arg4[%swap3A_33, %swap3A_34, %swap3A_35], %swap3A_38 {strides = array<i32>} : memref<8x1024x96xf32, #tpu.memory_space<vmem>>, vector<1x1024x96xf32>,
    %slice3A_39 = vector.extract_strided_slice %dot_general3A_5 {offsets = [0, 480], sizes = [1024, 96], strides = [1, 1]} : vector<1024x768xf32> to vector<1024x96xf32>
    %swap3A_40 = arith.constant 5 : index
    %swap3A_41 = arith.constant 0 : index
    %swap3A_42 = arith.constant 0 : index
    %swap3A_43 = vector.load %arg4[%swap3A_40, %swap3A_41, %swap3A_42] : memref<8x1024x96xf32, #tpu.memory_space<vmem>>, vector<1x1024x96xf32>
    %swap3A_44 = vector.shape_cast %swap3A_43 : vector<1x1024x96xf32> to vector<1024x96xf32>
    %swap3A_45 = vector.shape_cast %slice3A_39 : vector<1024x96xf32> to vector<1x1024x96xf32>
    tpu.vector_store %arg4[%swap3A_40, %swap3A_41, %swap3A_42], %swap3A_45 {strides = array<i32>} : memref<8x1024x96xf32, #tpu.memory_space<vmem>>, vector<1x1024x96xf32>,
    %slice3A_46 = vector.extract_strided_slice %dot_general3A_5 {offsets = [0, 576], sizes = [1024, 96], strides = [1, 1]} : vector<1024x768xf32> to vector<1024x96xf32>
    %swap3A_47 = arith.constant 6 : index
    %swap3A_48 = arith.constant 0 : index
    %swap3A_49 = arith.constant 0 : index
    %swap3A_50 = vector.load %arg4[%swap3A_47, %swap3A_48, %swap3A_49] : memref<8x1024x96xf32, #tpu.memory_space<vmem>>, vector<1x1024x96xf32>
    %swap3A_51 = vector.shape_cast %swap3A_50 : vector<1x1024x96xf32> to vector<1024x96xf32>
    %swap3A_52 = vector.shape_cast %slice3A_46 : vector<1024x96xf32> to vector<1x1024x96xf32>
    tpu.vector_store %arg4[%swap3A_47, %swap3A_48, %swap3A_49], %swap3A_52 {strides = array<i32>} : memref<8x1024x96xf32, #tpu.memory_space<vmem>>, vector<1x1024x96xf32>,
    %slice3A_53 = vector.extract_strided_slice %dot_general3A_5 {offsets = [0, 672], sizes = [1024, 96], strides = [1, 1]} : vector<1024x768xf32> to vector<1024x96xf32>
    %swap3A_54 = arith.constant 7 : index
    %swap3A_55 = arith.constant 0 : index
    %swap3A_56 = arith.constant 0 : index
    %swap3A_57 = vector.load %arg4[%swap3A_54, %swap3A_55, %swap3A_56] : memref<8x1024x96xf32, #tpu.memory_space<vmem>>, vector<1x1024x96xf32>
    %swap3A_58 = vector.shape_cast %swap3A_57 : vector<1x1024x96xf32> to vector<1024x96xf32>
    %swap3A_59 = vector.shape_cast %slice3A_53 : vector<1024x96xf32> to vector<1x1024x96xf32>
    tpu.vector_store %arg4[%swap3A_54, %swap3A_55, %swap3A_56], %swap3A_59 {strides = array<i32>} : memref<8x1024x96xf32, #tpu.memory_space<vmem>>, vector<1x1024x96xf32>,
    %get3A_60 = arith.constant 0 : index
    %get3A_61 = arith.constant 0 : index
    %get3A_62 = arith.constant 0 : index
    %get3A_63 = vector.load %arg3[%get3A_60, %get3A_61, %get3A_62] : memref<8x256x128xf32, #tpu.memory_space<vmem>>, vector<1x256x128xf32>
    %get3A_64 = vector.shape_cast %get3A_63 : vector<1x256x128xf32> to vector<256x128xf32>
    %dot_general3A_65 = arith.constant dense<0.000000e+00> : vector<1024x128xf32>
    %dot_general3A_66 = tpu.matmul %get3A_1, %get3A_64, %dot_general3A_65 {dimension_numbers = #tpu.dot_dimension_numbers<[1], [0], [0], [1], [0, 0, 1, 1], [], []>, transpose_lhs_hint = false} : vector<1024x256xf32>, vector<256x128xf32>, vector<1024x128xf32> -> vector<1024x128xf32>
    %swap3A_67 = arith.constant 0 : index
    %swap3A_68 = arith.constant 0 : index
    %swap3A_69 = arith.constant 0 : index
    %swap3A_70 = vector.load %arg5[%swap3A_67, %swap3A_68, %swap3A_69] : memref<8x1024x128xf32, #tpu.memory_space<vmem>>, vector<1x1024x128xf32>
    %swap3A_71 = vector.shape_cast %swap3A_70 : vector<1x1024x128xf32> to vector<1024x128xf32>
    %swap3A_72 = vector.shape_cast %dot_general3A_66 : vector<1024x128xf32> to vector<1x1024x128xf32>
    tpu.vector_store %arg5[%swap3A_67, %swap3A_68, %swap3A_69], %swap3A_72 {strides = array<i32>} : memref<8x1024x128xf32, #tpu.memory_space<vmem>>, vector<1x1024x128xf32>,
    %get3A_73 = arith.constant 1 : index
    %get3A_74 = arith.constant 0 : index
    %get3A_75 = arith.constant 0 : index
    %get3A_76 = vector.load %arg3[%get3A_73, %get3A_74, %get3A_75] : memref<8x256x128xf32, #tpu.memory_space<vmem>>, vector<1x256x128xf32>
    %get3A_77 = vector.shape_cast %get3A_76 : vector<1x256x128xf32> to vector<256x128xf32>
    %dot_general3A_78 = arith.constant dense<0.000000e+00> : vector<1024x128xf32>
    %dot_general3A_79 = tpu.matmul %get3A_1, %get3A_77, %dot_general3A_78 {dimension_numbers = #tpu.dot_dimension_numbers<[1], [0], [0], [1], [0, 0, 1, 1], [], []>, transpose_lhs_hint = false} : vector<1024x256xf32>, vector<256x128xf32>, vector<1024x128xf32> -> vector<1024x128xf32>
    %swap3A_80 = arith.constant 1 : index
    %swap3A_81 = arith.constant 0 : index
    %swap3A_82 = arith.constant 0 : index
    %swap3A_83 = vector.load %arg5[%swap3A_80, %swap3A_81, %swap3A_82] : memref<8x1024x128xf32, #tpu.memory_space<vmem>>, vector<1x1024x128xf32>
    %swap3A_84 = vector.shape_cast %swap3A_83 : vector<1x1024x128xf32> to vector<1024x128xf32>
    %swap3A_85 = vector.shape_cast %dot_general3A_79 : vector<1024x128xf32> to vector<1x1024x128xf32>
    tpu.vector_store %arg5[%swap3A_80, %swap3A_81, %swap3A_82], %swap3A_85 {strides = array<i32>} : memref<8x1024x128xf32, #tpu.memory_space<vmem>>, vector<1x1024x128xf32>,
    %get3A_86 = arith.constant 2 : index
    %get3A_87 = arith.constant 0 : index
    %get3A_88 = arith.constant 0 : index
    %get3A_89 = vector.load %arg3[%get3A_86, %get3A_87, %get3A_88] : memref<8x256x128xf32, #tpu.memory_space<vmem>>, vector<1x256x128xf32>
    %get3A_90 = vector.shape_cast %get3A_89 : vector<1x256x128xf32> to vector<256x128xf32>
    %dot_general3A_91 = arith.constant dense<0.000000e+00> : vector<1024x128xf32>
    %dot_general3A_92 = tpu.matmul %get3A_1, %get3A_90, %dot_general3A_91 {dimension_numbers = #tpu.dot_dimension_numbers<[1], [0], [0], [1], [0, 0, 1, 1], [], []>, transpose_lhs_hint = false} : vector<1024x256xf32>, vector<256x128xf32>, vector<1024x128xf32> -> vector<1024x128xf32>
    %swap3A_93 = arith.constant 2 : index
    %swap3A_94 = arith.constant 0 : index
    %swap3A_95 = arith.constant 0 : index
    %swap3A_96 = vector.load %arg5[%swap3A_93, %swap3A_94, %swap3A_95] : memref<8x1024x128xf32, #tpu.memory_space<vmem>>, vector<1x1024x128xf32>
    %swap3A_97 = vector.shape_cast %swap3A_96 : vector<1x1024x128xf32> to vector<1024x128xf32>
    %swap3A_98 = vector.shape_cast %dot_general3A_92 : vector<1024x128xf32> to vector<1x1024x128xf32>
    tpu.vector_store %arg5[%swap3A_93, %swap3A_94, %swap3A_95], %swap3A_98 {strides = array<i32>} : memref<8x1024x128xf32, #tpu.memory_space<vmem>>, vector<1x1024x128xf32>,
    %get3A_99 = arith.constant 3 : index
    %get3A_100 = arith.constant 0 : index
    %get3A_101 = arith.constant 0 : index
    %get3A_102 = vector.load %arg3[%get3A_99, %get3A_100, %get3A_101] : memref<8x256x128xf32, #tpu.memory_space<vmem>>, vector<1x256x128xf32>
    %get3A_103 = vector.shape_cast %get3A_102 : vector<1x256x128xf32> to vector<256x128xf32>
    %dot_general3A_104 = arith.constant dense<0.000000e+00> : vector<1024x128xf32>
    %dot_general3A_105 = tpu.matmul %get3A_1, %get3A_103, %dot_general3A_104 {dimension_numbers = #tpu.dot_dimension_numbers<[1], [0], [0], [1], [0, 0, 1, 1], [], []>, transpose_lhs_hint = false} : vector<1024x256xf32>, vector<256x128xf32>, vector<1024x128xf32> -> vector<1024x128xf32>
    %swap3A_106 = arith.constant 3 : index
    %swap3A_107 = arith.constant 0 : index
    %swap3A_108 = arith.constant 0 : index
    %swap3A_109 = vector.load %arg5[%swap3A_106, %swap3A_107, %swap3A_108] : memref<8x1024x128xf32, #tpu.memory_space<vmem>>, vector<1x1024x128xf32>
    %swap3A_110 = vector.shape_cast %swap3A_109 : vector<1x1024x128xf32> to vector<1024x128xf32>
    %swap3A_111 = vector.shape_cast %dot_general3A_105 : vector<1024x128xf32> to vector<1x1024x128xf32>
    tpu.vector_store %arg5[%swap3A_106, %swap3A_107, %swap3A_108], %swap3A_111 {strides = array<i32>} : memref<8x1024x128xf32, #tpu.memory_space<vmem>>, vector<1x1024x128xf32>,
    %get3A_112 = arith.constant 4 : index
    %get3A_113 = arith.constant 0 : index
    %get3A_114 = arith.constant 0 : index
    %get3A_115 = vector.load %arg3[%get3A_112, %get3A_113, %get3A_114] : memref<8x256x128xf32, #tpu.memory_space<vmem>>, vector<1x256x128xf32>
    %get3A_116 = vector.shape_cast %get3A_115 : vector<1x256x128xf32> to vector<256x128xf32>
    %dot_general3A_117 = arith.constant dense<0.000000e+00> : vector<1024x128xf32>
    %dot_general3A_118 = tpu.matmul %get3A_1, %get3A_116, %dot_general3A_117 {dimension_numbers = #tpu.dot_dimension_numbers<[1], [0], [0], [1], [0, 0, 1, 1], [], []>, transpose_lhs_hint = false} : vector<1024x256xf32>, vector<256x128xf32>, vector<1024x128xf32> -> vector<1024x128xf32>
    %swap3A_119 = arith.constant 4 : index
    %swap3A_120 = arith.constant 0 : index
    %swap3A_121 = arith.constant 0 : index
    %swap3A_122 = vector.load %arg5[%swap3A_119, %swap3A_120, %swap3A_121] : memref<8x1024x128xf32, #tpu.memory_space<vmem>>, vector<1x1024x128xf32>
    %swap3A_123 = vector.shape_cast %swap3A_122 : vector<1x1024x128xf32> to vector<1024x128xf32>
    %swap3A_124 = vector.shape_cast %dot_general3A_118 : vector<1024x128xf32> to vector<1x1024x128xf32>
    tpu.vector_store %arg5[%swap3A_119, %swap3A_120, %swap3A_121], %swap3A_124 {strides = array<i32>} : memref<8x1024x128xf32, #tpu.memory_space<vmem>>, vector<1x1024x128xf32>,
    %get3A_125 = arith.constant 5 : index
    %get3A_126 = arith.constant 0 : index
    %get3A_127 = arith.constant 0 : index
    %get3A_128 = vector.load %arg3[%get3A_125, %get3A_126, %get3A_127] : memref<8x256x128xf32, #tpu.memory_space<vmem>>, vector<1x256x128xf32>
    %get3A_129 = vector.shape_cast %get3A_128 : vector<1x256x128xf32> to vector<256x128xf32>
    %dot_general3A_130 = arith.constant dense<0.000000e+00> : vector<1024x128xf32>
    %dot_general3A_131 = tpu.matmul %get3A_1, %get3A_129, %dot_general3A_130 {dimension_numbers = #tpu.dot_dimension_numbers<[1], [0], [0], [1], [0, 0, 1, 1], [], []>, transpose_lhs_hint = false} : vector<1024x256xf32>, vector<256x128xf32>, vector<1024x128xf32> -> vector<1024x128xf32>
    %swap3A_132 = arith.constant 5 : index
    %swap3A_133 = arith.constant 0 : index
    %swap3A_134 = arith.constant 0 : index
    %swap3A_135 = vector.load %arg5[%swap3A_132, %swap3A_133, %swap3A_134] : memref<8x1024x128xf32, #tpu.memory_space<vmem>>, vector<1x1024x128xf32>
    %swap3A_136 = vector.shape_cast %swap3A_135 : vector<1x1024x128xf32> to vector<1024x128xf32>
    %swap3A_137 = vector.shape_cast %dot_general3A_131 : vector<1024x128xf32> to vector<1x1024x128xf32>
    tpu.vector_store %arg5[%swap3A_132, %swap3A_133, %swap3A_134], %swap3A_137 {strides = array<i32>} : memref<8x1024x128xf32, #tpu.memory_space<vmem>>, vector<1x1024x128xf32>,
    %get3A_138 = arith.constant 6 : index
    %get3A_139 = arith.constant 0 : index
    %get3A_140 = arith.constant 0 : index
    %get3A_141 = vector.load %arg3[%get3A_138, %get3A_139, %get3A_140] : memref<8x256x128xf32, #tpu.memory_space<vmem>>, vector<1x256x128xf32>
    %get3A_142 = vector.shape_cast %get3A_141 : vector<1x256x128xf32> to vector<256x128xf32>
    %dot_general3A_143 = arith.constant dense<0.000000e+00> : vector<1024x128xf32>
    %dot_general3A_144 = tpu.matmul %get3A_1, %get3A_142, %dot_general3A_143 {dimension_numbers = #tpu.dot_dimension_numbers<[1], [0], [0], [1], [0, 0, 1, 1], [], []>, transpose_lhs_hint = false} : vector<1024x256xf32>, vector<256x128xf32>, vector<1024x128xf32> -> vector<1024x128xf32>
    %swap3A_145 = arith.constant 6 : index
    %swap3A_146 = arith.constant 0 : index
    %swap3A_147 = arith.constant 0 : index
    %swap3A_148 = vector.load %arg5[%swap3A_145, %swap3A_146, %swap3A_147] : memref<8x1024x128xf32, #tpu.memory_space<vmem>>, vector<1x1024x128xf32>
    %swap3A_149 = vector.shape_cast %swap3A_148 : vector<1x1024x128xf32> to vector<1024x128xf32>
    %swap3A_150 = vector.shape_cast %dot_general3A_144 : vector<1024x128xf32> to vector<1x1024x128xf32>
    tpu.vector_store %arg5[%swap3A_145, %swap3A_146, %swap3A_147], %swap3A_150 {strides = array<i32>} : memref<8x1024x128xf32, #tpu.memory_space<vmem>>, vector<1x1024x128xf32>,
    %get3A_151 = arith.constant 7 : index
    %get3A_152 = arith.constant 0 : index
    %get3A_153 = arith.constant 0 : index
    %get3A_154 = vector.load %arg3[%get3A_151, %get3A_152, %get3A_153] : memref<8x256x128xf32, #tpu.memory_space<vmem>>, vector<1x256x128xf32>
    %get3A_155 = vector.shape_cast %get3A_154 : vector<1x256x128xf32> to vector<256x128xf32>
    %dot_general3A_156 = arith.constant dense<0.000000e+00> : vector<1024x128xf32>
    %dot_general3A_157 = tpu.matmul %get3A_1, %get3A_155, %dot_general3A_156 {dimension_numbers = #tpu.dot_dimension_numbers<[1], [0], [0], [1], [0, 0, 1, 1], [], []>, transpose_lhs_hint = false} : vector<1024x256xf32>, vector<256x128xf32>, vector<1024x128xf32> -> vector<1024x128xf32>
    %swap3A_158 = arith.constant 7 : index
    %swap3A_159 = arith.constant 0 : index
    %swap3A_160 = arith.constant 0 : index
    %swap3A_161 = vector.load %arg5[%swap3A_158, %swap3A_159, %swap3A_160] : memref<8x1024x128xf32, #tpu.memory_space<vmem>>, vector<1x1024x128xf32>
    %swap3A_162 = vector.shape_cast %swap3A_161 : vector<1x1024x128xf32> to vector<1024x128xf32>
    %swap3A_163 = vector.shape_cast %dot_general3A_157 : vector<1024x128xf32> to vector<1x1024x128xf32>
    tpu.vector_store %arg5[%swap3A_158, %swap3A_159, %swap3A_160], %swap3A_163 {strides = array<i32>} : memref<8x1024x128xf32, #tpu.memory_space<vmem>>, vector<1x1024x128xf32>,
    return
  }
  func.func @transform_0(%arg0: i32) -> (i32, i32) {
    %c0_i32 = arith.constant 0 : i32
    %c0_i32_0 = arith.constant 0 : i32
    return %arg0, %c0_i32 : i32, i32
  }
  func.func @transform_1(%arg0: i32) -> (i32, i32) {
    %c0_i32 = arith.constant 0 : i32
    %c0_i32_0 = arith.constant 0 : i32
    %c0_i32_1 = arith.constant 0 : i32
    return %c0_i32, %c0_i32_0 : i32, i32
  }
  func.func @transform_2(%arg0: i32) -> (i32, i32, i32) {
    %c0_i32 = arith.constant 0 : i32
    %c0_i32_0 = arith.constant 0 : i32
    %c0_i32_1 = arith.constant 0 : i32
    %c0_i32_2 = arith.constant 0 : i32
    return %c0_i32, %c0_i32_0, %c0_i32_1 : i32, i32, i32
  }
  func.func @transform_3(%arg0: i32) -> (i32, i32, i32) {
    %c0_i32 = arith.constant 0 : i32
    %c0_i32_0 = arith.constant 0 : i32
    %c0_i32_1 = arith.constant 0 : i32
    return %c0_i32, %arg0, %c0_i32_0 : i32, i32, i32
  }
  func.func @transform_4(%arg0: i32) -> (i32, i32, i32) {
    %c0_i32 = arith.constant 0 : i32
    %c0_i32_0 = arith.constant 0 : i32
    %c0_i32_1 = arith.constant 0 : i32
    return %c0_i32, %arg0, %c0_i32_0 : i32, i32, i32
  }
}

module attributes {stable_mosaic.version = 14 : i64} {
  func.func @_argmax_body(%arg0: i32, %arg1: memref<1x96x576xf32, #tpu.memory_space<vmem>>, %arg2: memref<1x8192x96xf32, #tpu.memory_space<vmem>>, %arg3: memref<1x1x1x576xi32, #tpu.memory_space<vmem>>, %arg4: memref<1x1x1x576xi32, #tpu.memory_space<vmem>>) attributes {dimension_semantics = [#tpu.dimension_semantics<arbitrary>], iteration_bounds = array<i64: 64>, scalar_prefetch = 0 : i64, scratch_operands = 0 : i64, tpu.core_type = #tpu.core_type<tc>, window_params = [{transform_indices = @transform_0, window_bounds = array<i64: 1, 96, 576>}, {transform_indices = @transform_1, window_bounds = array<i64: 1, 8192, 96>}, {transform_indices = @transform_2, window_bounds = array<i64: 1, 1, 1, 576>}, {transform_indices = @transform_3, window_bounds = array<i64: 1, 1, 1, 576>}]} {
    %jit3A = arith.constant 8 : i32
    %div3A = arith.divsi %arg0, %jit3A : i32
    %sign3A = arith.constant 0 : i32
    %sign3A_0 = arith.cmpi sgt, %arg0, %sign3A : i32
    %sign3A_1 = arith.extui %sign3A_0 : i1 to i32
    %sign3A_2 = arith.constant 0 : i32
    %sign3A_3 = arith.cmpi slt, %arg0, %sign3A_2 : i32
    %sign3A_4 = arith.extui %sign3A_3 : i1 to i32
    %sign3A_5 = arith.subi %sign3A_1, %sign3A_4 : i32
    %sign3A_6 = arith.constant 0 : i32
    %sign3A_7 = arith.cmpi sgt, %jit3A, %sign3A_6 : i32
    %sign3A_8 = arith.extui %sign3A_7 : i1 to i32
    %sign3A_9 = arith.constant 0 : i32
    %sign3A_10 = arith.cmpi slt, %jit3A, %sign3A_9 : i32
    %sign3A_11 = arith.extui %sign3A_10 : i1 to i32
    %sign3A_12 = arith.subi %sign3A_8, %sign3A_11 : i32
    %ne3A = arith.cmpi ne, %sign3A_5, %sign3A_12 : i32
    %rem3A = arith.remsi %arg0, %jit3A : i32
    %ne3A_13 = arith.constant 0 : i32
    %ne3A_14 = arith.cmpi ne, %rem3A, %ne3A_13 : i32
    %and3A = arith.andi %ne3A, %ne3A_14 : i1
    %sub3A = arith.constant 1 : i32
    %sub3A_15 = arith.subi %div3A, %sub3A : i32
    %select_n3A = arith.select %and3A, %sub3A_15, %div3A : i32
    %get3A = arith.constant 0 : index
    %get3A_16 = arith.constant 0 : index
    %get3A_17 = arith.constant 0 : index
    %get3A_18 = vector.load %arg1[%get3A, %get3A_16, %get3A_17] : memref<1x96x576xf32, #tpu.memory_space<vmem>>, vector<1x96x576xf32>
    %get3A_19 = vector.shape_cast %get3A_18 : vector<1x96x576xf32> to vector<96x576xf32>
    %mul3A = arith.constant 0.102062076 : f32
    %mul3A_20 = vector.broadcast %mul3A : f32 to vector<96x576xf32>
    %mul3A_21 = arith.mulf %get3A_19, %mul3A_20 : vector<96x576xf32>
    %get3A_22 = arith.constant 0 : index
    %get3A_23 = arith.constant 0 : index
    %get3A_24 = arith.constant 0 : index
    %get3A_25 = vector.load %arg2[%get3A_22, %get3A_23, %get3A_24] : memref<1x8192x96xf32, #tpu.memory_space<vmem>>, vector<1x8192x96xf32>
    %get3A_26 = vector.shape_cast %get3A_25 : vector<1x8192x96xf32> to vector<8192x96xf32>
    %dot_general3A = arith.constant dense<0.000000e+00> : vector<8192x576xf32>
    %dot_general3A_27 = tpu.matmul %get3A_26, %mul3A_21, %dot_general3A {dimension_numbers = #tpu.dot_dimension_numbers<[1], [0], [0], [1], [0, 0, 1, 1], [], []>, transpose_lhs_hint = false} : vector<8192x96xf32>, vector<96x576xf32>, vector<8192x576xf32> -> vector<8192x576xf32>
    %reduce_max3A = arith.constant dense<0xFF800000> : vector<576xf32>
    %reduce_max3A_28 = vector.multi_reduction <maximumf>, %dot_general3A_27, %reduce_max3A [0] : vector<8192x576xf32> to vector<576xf32>
    %broadcast_in_dim3A = vector.shape_cast %reduce_max3A_28 : vector<576xf32> to vector<1x576xf32>
    %eq3A = vector.broadcast %broadcast_in_dim3A : vector<1x576xf32> to vector<8192x576xf32>
    %eq3A_29 = arith.cmpf oeq, %dot_general3A_27, %eq3A : vector<8192x576xf32>
    %jit3A_30 = arith.constant 1.000000e+00 : f32
    %jit3A_31 = arith.constant 0.000000e+00 : f32
    %broadcast_in_dim3A_32 = vector.broadcast %jit3A_30 : f32 to vector<8192x576xf32>
    %broadcast_in_dim3A_33 = vector.broadcast %jit3A_31 : f32 to vector<8192x576xf32>
    %select_n3A_34 = arith.select %eq3A_29, %broadcast_in_dim3A_32, %broadcast_in_dim3A_33 : vector<8192x576xi1>, vector<8192x576xf32>
    %convert_element_type3A = arith.truncf %select_n3A_34 : vector<8192x576xf32> to vector<8192x576xbf16>
    %iota3A = tpu.iota {dimensions = array<i32: 1>} : vector<3x8192xi32>
    %iota3A_35 = tpu.iota {dimensions = array<i32: 0>} : vector<3x8192xi32>
    %eq3A_36 = arith.constant 0 : i32
    %eq3A_37 = vector.broadcast %eq3A_36 : i32 to vector<3x8192xi32>
    %eq3A_38 = arith.cmpi eq, %iota3A_35, %eq3A_37 : vector<3x8192xi32>
    %jit3A_39 = arith.constant 256 : i32
    %div3A_40 = vector.broadcast %jit3A_39 : i32 to vector<3x8192xi32>
    %div3A_41 = arith.divsi %iota3A, %div3A_40 : vector<3x8192xi32>
    %sign3A_42 = arith.constant 0 : i32
    %sign3A_43 = vector.broadcast %sign3A_42 : i32 to vector<3x8192xi32>
    %sign3A_44 = arith.cmpi sgt, %iota3A, %sign3A_43 : vector<3x8192xi32>
    %sign3A_45 = arith.extui %sign3A_44 : vector<3x8192xi1> to vector<3x8192xi32>
    %sign3A_46 = arith.constant 0 : i32
    %sign3A_47 = vector.broadcast %sign3A_46 : i32 to vector<3x8192xi32>
    %sign3A_48 = arith.cmpi slt, %iota3A, %sign3A_47 : vector<3x8192xi32>
    %sign3A_49 = arith.extui %sign3A_48 : vector<3x8192xi1> to vector<3x8192xi32>
    %sign3A_50 = arith.subi %sign3A_45, %sign3A_49 : vector<3x8192xi32>
    %sign3A_51 = arith.constant 0 : i32
    %sign3A_52 = arith.cmpi sgt, %jit3A_39, %sign3A_51 : i32
    %sign3A_53 = arith.extui %sign3A_52 : i1 to i32
    %sign3A_54 = arith.constant 0 : i32
    %sign3A_55 = arith.cmpi slt, %jit3A_39, %sign3A_54 : i32
    %sign3A_56 = arith.extui %sign3A_55 : i1 to i32
    %sign3A_57 = arith.subi %sign3A_53, %sign3A_56 : i32
    %ne3A_58 = vector.broadcast %sign3A_57 : i32 to vector<3x8192xi32>
    %ne3A_59 = arith.cmpi ne, %sign3A_50, %ne3A_58 : vector<3x8192xi32>
    %rem3A_60 = vector.broadcast %jit3A_39 : i32 to vector<3x8192xi32>
    %rem3A_61 = arith.remsi %iota3A, %rem3A_60 : vector<3x8192xi32>
    %ne3A_62 = arith.constant 0 : i32
    %ne3A_63 = vector.broadcast %ne3A_62 : i32 to vector<3x8192xi32>
    %ne3A_64 = arith.cmpi ne, %rem3A_61, %ne3A_63 : vector<3x8192xi32>
    %and3A_65 = arith.andi %ne3A_59, %ne3A_64 : vector<3x8192xi1>
    %sub3A_66 = arith.constant 1 : i32
    %sub3A_67 = vector.broadcast %sub3A_66 : i32 to vector<3x8192xi32>
    %sub3A_68 = arith.subi %div3A_41, %sub3A_67 : vector<3x8192xi32>
    %select_n3A_69 = arith.select %and3A_65, %sub3A_68, %div3A_41 : vector<3x8192xi1>, vector<3x8192xi32>
    %eq3A_70 = arith.constant 1 : i32
    %eq3A_71 = vector.broadcast %eq3A_70 : i32 to vector<3x8192xi32>
    %eq3A_72 = arith.cmpi eq, %iota3A_35, %eq3A_71 : vector<3x8192xi32>
    %jit3A_73 = arith.constant 16 : i32
    %div3A_74 = vector.broadcast %jit3A_73 : i32 to vector<3x8192xi32>
    %div3A_75 = arith.divsi %iota3A, %div3A_74 : vector<3x8192xi32>
    %sign3A_76 = arith.constant 0 : i32
    %sign3A_77 = vector.broadcast %sign3A_76 : i32 to vector<3x8192xi32>
    %sign3A_78 = arith.cmpi sgt, %iota3A, %sign3A_77 : vector<3x8192xi32>
    %sign3A_79 = arith.extui %sign3A_78 : vector<3x8192xi1> to vector<3x8192xi32>
    %sign3A_80 = arith.constant 0 : i32
    %sign3A_81 = vector.broadcast %sign3A_80 : i32 to vector<3x8192xi32>
    %sign3A_82 = arith.cmpi slt, %iota3A, %sign3A_81 : vector<3x8192xi32>
    %sign3A_83 = arith.extui %sign3A_82 : vector<3x8192xi1> to vector<3x8192xi32>
    %sign3A_84 = arith.subi %sign3A_79, %sign3A_83 : vector<3x8192xi32>
    %sign3A_85 = arith.constant 0 : i32
    %sign3A_86 = arith.cmpi sgt, %jit3A_73, %sign3A_85 : i32
    %sign3A_87 = arith.extui %sign3A_86 : i1 to i32
    %sign3A_88 = arith.constant 0 : i32
    %sign3A_89 = arith.cmpi slt, %jit3A_73, %sign3A_88 : i32
    %sign3A_90 = arith.extui %sign3A_89 : i1 to i32
    %sign3A_91 = arith.subi %sign3A_87, %sign3A_90 : i32
    %ne3A_92 = vector.broadcast %sign3A_91 : i32 to vector<3x8192xi32>
    %ne3A_93 = arith.cmpi ne, %sign3A_84, %ne3A_92 : vector<3x8192xi32>
    %rem3A_94 = vector.broadcast %jit3A_73 : i32 to vector<3x8192xi32>
    %rem3A_95 = arith.remsi %iota3A, %rem3A_94 : vector<3x8192xi32>
    %ne3A_96 = arith.constant 0 : i32
    %ne3A_97 = vector.broadcast %ne3A_96 : i32 to vector<3x8192xi32>
    %ne3A_98 = arith.cmpi ne, %rem3A_95, %ne3A_97 : vector<3x8192xi32>
    %and3A_99 = arith.andi %ne3A_93, %ne3A_98 : vector<3x8192xi1>
    %sub3A_100 = arith.constant 1 : i32
    %sub3A_101 = vector.broadcast %sub3A_100 : i32 to vector<3x8192xi32>
    %sub3A_102 = arith.subi %div3A_75, %sub3A_101 : vector<3x8192xi32>
    %select_n3A_103 = arith.select %and3A_99, %sub3A_102, %div3A_75 : vector<3x8192xi1>, vector<3x8192xi32>
    %jit3A_104 = arith.constant 16 : i32
    %eq3A_105 = arith.constant 0 : i32
    %eq3A_106 = arith.cmpi eq, %jit3A_104, %eq3A_105 : i32
    %jit3A_107 = arith.constant 1 : i32
    %select_n3A_108 = arith.select %eq3A_106, %jit3A_107, %jit3A_104 : i32
    %rem3A_109 = vector.broadcast %select_n3A_108 : i32 to vector<3x8192xi32>
    %rem3A_110 = arith.remsi %select_n3A_103, %rem3A_109 : vector<3x8192xi32>
    %ne3A_111 = arith.constant 0 : i32
    %ne3A_112 = vector.broadcast %ne3A_111 : i32 to vector<3x8192xi32>
    %ne3A_113 = arith.cmpi ne, %rem3A_110, %ne3A_112 : vector<3x8192xi32>
    %lt3A = arith.constant 0 : i32
    %lt3A_114 = vector.broadcast %lt3A : i32 to vector<3x8192xi32>
    %lt3A_115 = arith.cmpi slt, %rem3A_110, %lt3A_114 : vector<3x8192xi32>
    %lt3A_116 = arith.constant 0 : i32
    %lt3A_117 = arith.cmpi slt, %select_n3A_108, %lt3A_116 : i32
    %ne3A_118 = vector.broadcast %lt3A_117 : i1 to vector<3x8192xi1>
    %ne3A_119 = vector.broadcast %ne3A_118 : vector<3x8192xi1> to vector<3x8192xi1>
    %ne3A_120 = arith.xori %lt3A_115, %ne3A_119 : vector<3x8192xi1>
    %and3A_121 = arith.andi %ne3A_120, %ne3A_113 : vector<3x8192xi1>
    %add3A = vector.broadcast %select_n3A_108 : i32 to vector<3x8192xi32>
    %add3A_122 = arith.addi %rem3A_110, %add3A : vector<3x8192xi32>
    %select_n3A_123 = arith.select %and3A_121, %add3A_122, %rem3A_110 : vector<3x8192xi1>, vector<3x8192xi32>
    %jit3A_124 = arith.constant 16 : i32
    %eq3A_125 = arith.constant 0 : i32
    %eq3A_126 = arith.cmpi eq, %jit3A_124, %eq3A_125 : i32
    %jit3A_127 = arith.constant 1 : i32
    %select_n3A_128 = arith.select %eq3A_126, %jit3A_127, %jit3A_124 : i32
    %rem3A_129 = vector.broadcast %select_n3A_128 : i32 to vector<3x8192xi32>
    %rem3A_130 = arith.remsi %iota3A, %rem3A_129 : vector<3x8192xi32>
    %ne3A_131 = arith.constant 0 : i32
    %ne3A_132 = vector.broadcast %ne3A_131 : i32 to vector<3x8192xi32>
    %ne3A_133 = arith.cmpi ne, %rem3A_130, %ne3A_132 : vector<3x8192xi32>
    %lt3A_134 = arith.constant 0 : i32
    %lt3A_135 = vector.broadcast %lt3A_134 : i32 to vector<3x8192xi32>
    %lt3A_136 = arith.cmpi slt, %rem3A_130, %lt3A_135 : vector<3x8192xi32>
    %lt3A_137 = arith.constant 0 : i32
    %lt3A_138 = arith.cmpi slt, %select_n3A_128, %lt3A_137 : i32
    %ne3A_139 = vector.broadcast %lt3A_138 : i1 to vector<3x8192xi1>
    %ne3A_140 = vector.broadcast %ne3A_139 : vector<3x8192xi1> to vector<3x8192xi1>
    %ne3A_141 = arith.xori %lt3A_136, %ne3A_140 : vector<3x8192xi1>
    %and3A_142 = arith.andi %ne3A_141, %ne3A_133 : vector<3x8192xi1>
    %add3A_143 = vector.broadcast %select_n3A_128 : i32 to vector<3x8192xi32>
    %add3A_144 = arith.addi %rem3A_130, %add3A_143 : vector<3x8192xi32>
    %select_n3A_145 = arith.select %and3A_142, %add3A_144, %rem3A_130 : vector<3x8192xi1>, vector<3x8192xi32>
    %select_n3A_146 = arith.select %eq3A_72, %select_n3A_123, %select_n3A_145 : vector<3x8192xi1>, vector<3x8192xi32>
    %select_n3A_147 = arith.select %eq3A_38, %select_n3A_69, %select_n3A_146 : vector<3x8192xi1>, vector<3x8192xi32>
    %convert_element_type3A_148 = arith.sitofp %select_n3A_147 : vector<3x8192xi32> to vector<3x8192xbf16>
    %dot_general3A_149 = arith.constant dense<0.000000e+00> : vector<3x576xf32>
    %dot_general3A_150 = tpu.matmul %convert_element_type3A_148, %convert_element_type3A, %dot_general3A_149 {dimension_numbers = #tpu.dot_dimension_numbers<[1], [0], [0], [1], [0, 0, 1, 1], [], []>, transpose_lhs_hint = false} : vector<3x8192xbf16>, vector<8192x576xbf16>, vector<3x576xf32> -> vector<3x576xf32>
    %slice3A = vector.extract_strided_slice %dot_general3A_150 {offsets = [0, 0], sizes = [1, 576], strides = [1, 1]} : vector<3x576xf32> to vector<1x576xf32>
    %mul3A_151 = arith.constant 2.560000e+02 : f32
    %mul3A_152 = vector.broadcast %mul3A_151 : f32 to vector<1x576xf32>
    %mul3A_153 = arith.mulf %slice3A, %mul3A_152 : vector<1x576xf32>
    %slice3A_154 = vector.extract_strided_slice %dot_general3A_150 {offsets = [1, 0], sizes = [1, 576], strides = [1, 1]} : vector<3x576xf32> to vector<1x576xf32>
    %mul3A_155 = arith.constant 1.600000e+01 : f32
    %mul3A_156 = vector.broadcast %mul3A_155 : f32 to vector<1x576xf32>
    %mul3A_157 = arith.mulf %slice3A_154, %mul3A_156 : vector<1x576xf32>
    %add3A_158 = arith.addf %mul3A_153, %mul3A_157 : vector<1x576xf32>
    %slice3A_159 = vector.extract_strided_slice %dot_general3A_150 {offsets = [2, 0], sizes = [1, 576], strides = [1, 1]} : vector<3x576xf32> to vector<1x576xf32>
    %add3A_160 = arith.addf %add3A_158, %slice3A_159 : vector<1x576xf32>
    %convert_element_type3A_161 = arith.fptosi %add3A_160 : vector<1x576xf32> to vector<1x576xi32>
    %reshape3A = vector.shape_cast %convert_element_type3A_161 : vector<1x576xi32> to vector<1x1x1x576xi32>
    %swap3A = arith.constant 0 : index
    %swap3A_162 = arith.constant 0 : index
    %swap3A_163 = arith.constant 0 : index
    %swap3A_164 = arith.constant 0 : index
    %swap3A_165 = vector.load %arg3[%swap3A, %swap3A_162, %swap3A_163, %swap3A_164] : memref<1x1x1x576xi32, #tpu.memory_space<vmem>>, vector<1x1x1x576xi32>
    tpu.vector_store %arg3[%swap3A, %swap3A_162, %swap3A_163, %swap3A_164], %reshape3A {strides = array<i32>} : memref<1x1x1x576xi32, #tpu.memory_space<vmem>>, vector<1x1x1x576xi32>,
    %mul3A_166 = arith.constant 8192 : i32
    %mul3A_167 = arith.muli %select_n3A, %mul3A_166 : i32
    %add3A_168 = vector.broadcast %mul3A_167 : i32 to vector<1x576xi32>
    %add3A_169 = arith.addi %convert_element_type3A_161, %add3A_168 : vector<1x576xi32>
    %reshape3A_170 = vector.shape_cast %add3A_169 : vector<1x576xi32> to vector<1x1x1x576xi32>
    %swap3A_171 = arith.constant 0 : index
    %swap3A_172 = arith.constant 0 : index
    %swap3A_173 = arith.constant 0 : index
    %swap3A_174 = arith.constant 0 : index
    %swap3A_175 = vector.load %arg4[%swap3A_171, %swap3A_172, %swap3A_173, %swap3A_174] : memref<1x1x1x576xi32, #tpu.memory_space<vmem>>, vector<1x1x1x576xi32>
    tpu.vector_store %arg4[%swap3A_171, %swap3A_172, %swap3A_173, %swap3A_174], %reshape3A_170 {strides = array<i32>} : memref<1x1x1x576xi32, #tpu.memory_space<vmem>>, vector<1x1x1x576xi32>,
    return
  }
  func.func @transform_0(%arg0: i32) -> (i32, i32, i32) {
    %jit3A = arith.constant 8 : i32
    %div3A = arith.divsi %arg0, %jit3A : i32
    %sign3A = arith.constant 0 : i32
    %sign3A_0 = arith.cmpi sgt, %arg0, %sign3A : i32
    %sign3A_1 = arith.extui %sign3A_0 : i1 to i32
    %sign3A_2 = arith.constant 0 : i32
    %sign3A_3 = arith.cmpi slt, %arg0, %sign3A_2 : i32
    %sign3A_4 = arith.extui %sign3A_3 : i1 to i32
    %sign3A_5 = arith.subi %sign3A_1, %sign3A_4 : i32
    %sign3A_6 = arith.constant 0 : i32
    %sign3A_7 = arith.cmpi sgt, %jit3A, %sign3A_6 : i32
    %sign3A_8 = arith.extui %sign3A_7 : i1 to i32
    %sign3A_9 = arith.constant 0 : i32
    %sign3A_10 = arith.cmpi slt, %jit3A, %sign3A_9 : i32
    %sign3A_11 = arith.extui %sign3A_10 : i1 to i32
    %sign3A_12 = arith.subi %sign3A_8, %sign3A_11 : i32
    %ne3A = arith.cmpi ne, %sign3A_5, %sign3A_12 : i32
    %rem3A = arith.remsi %arg0, %jit3A : i32
    %ne3A_13 = arith.constant 0 : i32
    %ne3A_14 = arith.cmpi ne, %rem3A, %ne3A_13 : i32
    %and3A = arith.andi %ne3A, %ne3A_14 : i1
    %sub3A = arith.constant 1 : i32
    %sub3A_15 = arith.subi %div3A, %sub3A : i32
    %select_n3A = arith.select %and3A, %sub3A_15, %div3A : i32
    %jit3A_16 = arith.constant 8 : i32
    %eq3A = arith.constant 0 : i32
    %eq3A_17 = arith.cmpi eq, %jit3A_16, %eq3A : i32
    %jit3A_18 = arith.constant 1 : i32
    %select_n3A_19 = arith.select %eq3A_17, %jit3A_18, %jit3A_16 : i32
    %rem3A_20 = arith.remsi %arg0, %select_n3A_19 : i32
    %ne3A_21 = arith.constant 0 : i32
    %ne3A_22 = arith.cmpi ne, %rem3A_20, %ne3A_21 : i32
    %lt3A = arith.constant 0 : i32
    %lt3A_23 = arith.cmpi slt, %rem3A_20, %lt3A : i32
    %lt3A_24 = arith.constant 0 : i32
    %lt3A_25 = arith.cmpi slt, %select_n3A_19, %lt3A_24 : i32
    %ne3A_26 = arith.xori %lt3A_23, %lt3A_25 : i1
    %and3A_27 = arith.andi %ne3A_26, %ne3A_22 : i1
    %add3A = arith.addi %rem3A_20, %select_n3A_19 : i32
    %select_n3A_28 = arith.select %and3A_27, %add3A, %rem3A_20 : i32
    %jit3A_29 = arith.constant 1 : i32
    %div3A_30 = arith.divsi %select_n3A_28, %jit3A_29 : i32
    %sign3A_31 = arith.constant 0 : i32
    %sign3A_32 = arith.cmpi sgt, %select_n3A_28, %sign3A_31 : i32
    %sign3A_33 = arith.extui %sign3A_32 : i1 to i32
    %sign3A_34 = arith.constant 0 : i32
    %sign3A_35 = arith.cmpi slt, %select_n3A_28, %sign3A_34 : i32
    %sign3A_36 = arith.extui %sign3A_35 : i1 to i32
    %sign3A_37 = arith.subi %sign3A_33, %sign3A_36 : i32
    %sign3A_38 = arith.constant 0 : i32
    %sign3A_39 = arith.cmpi sgt, %jit3A_29, %sign3A_38 : i32
    %sign3A_40 = arith.extui %sign3A_39 : i1 to i32
    %sign3A_41 = arith.constant 0 : i32
    %sign3A_42 = arith.cmpi slt, %jit3A_29, %sign3A_41 : i32
    %sign3A_43 = arith.extui %sign3A_42 : i1 to i32
    %sign3A_44 = arith.subi %sign3A_40, %sign3A_43 : i32
    %ne3A_45 = arith.cmpi ne, %sign3A_37, %sign3A_44 : i32
    %rem3A_46 = arith.remsi %select_n3A_28, %jit3A_29 : i32
    %ne3A_47 = arith.constant 0 : i32
    %ne3A_48 = arith.cmpi ne, %rem3A_46, %ne3A_47 : i32
    %and3A_49 = arith.andi %ne3A_45, %ne3A_48 : i1
    %sub3A_50 = arith.constant 1 : i32
    %sub3A_51 = arith.subi %div3A_30, %sub3A_50 : i32
    %select_n3A_52 = arith.select %and3A_49, %sub3A_51, %div3A_30 : i32
    %jit3A_53 = arith.constant 1 : i32
    %eq3A_54 = arith.constant 0 : i32
    %eq3A_55 = arith.cmpi eq, %jit3A_53, %eq3A_54 : i32
    %jit3A_56 = arith.constant 1 : i32
    %select_n3A_57 = arith.select %eq3A_55, %jit3A_56, %jit3A_53 : i32
    %rem3A_58 = arith.remsi %select_n3A_28, %select_n3A_57 : i32
    %ne3A_59 = arith.constant 0 : i32
    %ne3A_60 = arith.cmpi ne, %rem3A_58, %ne3A_59 : i32
    %lt3A_61 = arith.constant 0 : i32
    %lt3A_62 = arith.cmpi slt, %rem3A_58, %lt3A_61 : i32
    %lt3A_63 = arith.constant 0 : i32
    %lt3A_64 = arith.cmpi slt, %select_n3A_57, %lt3A_63 : i32
    %ne3A_65 = arith.xori %lt3A_62, %lt3A_64 : i1
    %and3A_66 = arith.andi %ne3A_65, %ne3A_60 : i1
    %add3A_67 = arith.addi %rem3A_58, %select_n3A_57 : i32
    %select_n3A_68 = arith.select %and3A_66, %add3A_67, %rem3A_58 : i32
    %c0_i32 = arith.constant 0 : i32
    %c0_i32_69 = arith.constant 0 : i32
    return %select_n3A_52, %select_n3A, %c0_i32 : i32, i32, i32
  }
  func.func @transform_1(%arg0: i32) -> (i32, i32, i32) {
    %jit3A = arith.constant 8 : i32
    %div3A = arith.divsi %arg0, %jit3A : i32
    %sign3A = arith.constant 0 : i32
    %sign3A_0 = arith.cmpi sgt, %arg0, %sign3A : i32
    %sign3A_1 = arith.extui %sign3A_0 : i1 to i32
    %sign3A_2 = arith.constant 0 : i32
    %sign3A_3 = arith.cmpi slt, %arg0, %sign3A_2 : i32
    %sign3A_4 = arith.extui %sign3A_3 : i1 to i32
    %sign3A_5 = arith.subi %sign3A_1, %sign3A_4 : i32
    %sign3A_6 = arith.constant 0 : i32
    %sign3A_7 = arith.cmpi sgt, %jit3A, %sign3A_6 : i32
    %sign3A_8 = arith.extui %sign3A_7 : i1 to i32
    %sign3A_9 = arith.constant 0 : i32
    %sign3A_10 = arith.cmpi slt, %jit3A, %sign3A_9 : i32
    %sign3A_11 = arith.extui %sign3A_10 : i1 to i32
    %sign3A_12 = arith.subi %sign3A_8, %sign3A_11 : i32
    %ne3A = arith.cmpi ne, %sign3A_5, %sign3A_12 : i32
    %rem3A = arith.remsi %arg0, %jit3A : i32
    %ne3A_13 = arith.constant 0 : i32
    %ne3A_14 = arith.cmpi ne, %rem3A, %ne3A_13 : i32
    %and3A = arith.andi %ne3A, %ne3A_14 : i1
    %sub3A = arith.constant 1 : i32
    %sub3A_15 = arith.subi %div3A, %sub3A : i32
    %select_n3A = arith.select %and3A, %sub3A_15, %div3A : i32
    %jit3A_16 = arith.constant 8 : i32
    %eq3A = arith.constant 0 : i32
    %eq3A_17 = arith.cmpi eq, %jit3A_16, %eq3A : i32
    %jit3A_18 = arith.constant 1 : i32
    %select_n3A_19 = arith.select %eq3A_17, %jit3A_18, %jit3A_16 : i32
    %rem3A_20 = arith.remsi %arg0, %select_n3A_19 : i32
    %ne3A_21 = arith.constant 0 : i32
    %ne3A_22 = arith.cmpi ne, %rem3A_20, %ne3A_21 : i32
    %lt3A = arith.constant 0 : i32
    %lt3A_23 = arith.cmpi slt, %rem3A_20, %lt3A : i32
    %lt3A_24 = arith.constant 0 : i32
    %lt3A_25 = arith.cmpi slt, %select_n3A_19, %lt3A_24 : i32
    %ne3A_26 = arith.xori %lt3A_23, %lt3A_25 : i1
    %and3A_27 = arith.andi %ne3A_26, %ne3A_22 : i1
    %add3A = arith.addi %rem3A_20, %select_n3A_19 : i32
    %select_n3A_28 = arith.select %and3A_27, %add3A, %rem3A_20 : i32
    %jit3A_29 = arith.constant 1 : i32
    %div3A_30 = arith.divsi %select_n3A_28, %jit3A_29 : i32
    %sign3A_31 = arith.constant 0 : i32
    %sign3A_32 = arith.cmpi sgt, %select_n3A_28, %sign3A_31 : i32
    %sign3A_33 = arith.extui %sign3A_32 : i1 to i32
    %sign3A_34 = arith.constant 0 : i32
    %sign3A_35 = arith.cmpi slt, %select_n3A_28, %sign3A_34 : i32
    %sign3A_36 = arith.extui %sign3A_35 : i1 to i32
    %sign3A_37 = arith.subi %sign3A_33, %sign3A_36 : i32
    %sign3A_38 = arith.constant 0 : i32
    %sign3A_39 = arith.cmpi sgt, %jit3A_29, %sign3A_38 : i32
    %sign3A_40 = arith.extui %sign3A_39 : i1 to i32
    %sign3A_41 = arith.constant 0 : i32
    %sign3A_42 = arith.cmpi slt, %jit3A_29, %sign3A_41 : i32
    %sign3A_43 = arith.extui %sign3A_42 : i1 to i32
    %sign3A_44 = arith.subi %sign3A_40, %sign3A_43 : i32
    %ne3A_45 = arith.cmpi ne, %sign3A_37, %sign3A_44 : i32
    %rem3A_46 = arith.remsi %select_n3A_28, %jit3A_29 : i32
    %ne3A_47 = arith.constant 0 : i32
    %ne3A_48 = arith.cmpi ne, %rem3A_46, %ne3A_47 : i32
    %and3A_49 = arith.andi %ne3A_45, %ne3A_48 : i1
    %sub3A_50 = arith.constant 1 : i32
    %sub3A_51 = arith.subi %div3A_30, %sub3A_50 : i32
    %select_n3A_52 = arith.select %and3A_49, %sub3A_51, %div3A_30 : i32
    %jit3A_53 = arith.constant 1 : i32
    %eq3A_54 = arith.constant 0 : i32
    %eq3A_55 = arith.cmpi eq, %jit3A_53, %eq3A_54 : i32
    %jit3A_56 = arith.constant 1 : i32
    %select_n3A_57 = arith.select %eq3A_55, %jit3A_56, %jit3A_53 : i32
    %rem3A_58 = arith.remsi %select_n3A_28, %select_n3A_57 : i32
    %ne3A_59 = arith.constant 0 : i32
    %ne3A_60 = arith.cmpi ne, %rem3A_58, %ne3A_59 : i32
    %lt3A_61 = arith.constant 0 : i32
    %lt3A_62 = arith.cmpi slt, %rem3A_58, %lt3A_61 : i32
    %lt3A_63 = arith.constant 0 : i32
    %lt3A_64 = arith.cmpi slt, %select_n3A_57, %lt3A_63 : i32
    %ne3A_65 = arith.xori %lt3A_62, %lt3A_64 : i1
    %and3A_66 = arith.andi %ne3A_65, %ne3A_60 : i1
    %add3A_67 = arith.addi %rem3A_58, %select_n3A_57 : i32
    %select_n3A_68 = arith.select %and3A_66, %add3A_67, %rem3A_58 : i32
    %c0_i32 = arith.constant 0 : i32
    %c0_i32_69 = arith.constant 0 : i32
    return %select_n3A, %select_n3A_68, %c0_i32 : i32, i32, i32
  }
  func.func @transform_2(%arg0: i32) -> (i32, i32, i32, i32) {
    %jit3A = arith.constant 8 : i32
    %div3A = arith.divsi %arg0, %jit3A : i32
    %sign3A = arith.constant 0 : i32
    %sign3A_0 = arith.cmpi sgt, %arg0, %sign3A : i32
    %sign3A_1 = arith.extui %sign3A_0 : i1 to i32
    %sign3A_2 = arith.constant 0 : i32
    %sign3A_3 = arith.cmpi slt, %arg0, %sign3A_2 : i32
    %sign3A_4 = arith.extui %sign3A_3 : i1 to i32
    %sign3A_5 = arith.subi %sign3A_1, %sign3A_4 : i32
    %sign3A_6 = arith.constant 0 : i32
    %sign3A_7 = arith.cmpi sgt, %jit3A, %sign3A_6 : i32
    %sign3A_8 = arith.extui %sign3A_7 : i1 to i32
    %sign3A_9 = arith.constant 0 : i32
    %sign3A_10 = arith.cmpi slt, %jit3A, %sign3A_9 : i32
    %sign3A_11 = arith.extui %sign3A_10 : i1 to i32
    %sign3A_12 = arith.subi %sign3A_8, %sign3A_11 : i32
    %ne3A = arith.cmpi ne, %sign3A_5, %sign3A_12 : i32
    %rem3A = arith.remsi %arg0, %jit3A : i32
    %ne3A_13 = arith.constant 0 : i32
    %ne3A_14 = arith.cmpi ne, %rem3A, %ne3A_13 : i32
    %and3A = arith.andi %ne3A, %ne3A_14 : i1
    %sub3A = arith.constant 1 : i32
    %sub3A_15 = arith.subi %div3A, %sub3A : i32
    %select_n3A = arith.select %and3A, %sub3A_15, %div3A : i32
    %jit3A_16 = arith.constant 8 : i32
    %eq3A = arith.constant 0 : i32
    %eq3A_17 = arith.cmpi eq, %jit3A_16, %eq3A : i32
    %jit3A_18 = arith.constant 1 : i32
    %select_n3A_19 = arith.select %eq3A_17, %jit3A_18, %jit3A_16 : i32
    %rem3A_20 = arith.remsi %arg0, %select_n3A_19 : i32
    %ne3A_21 = arith.constant 0 : i32
    %ne3A_22 = arith.cmpi ne, %rem3A_20, %ne3A_21 : i32
    %lt3A = arith.constant 0 : i32
    %lt3A_23 = arith.cmpi slt, %rem3A_20, %lt3A : i32
    %lt3A_24 = arith.constant 0 : i32
    %lt3A_25 = arith.cmpi slt, %select_n3A_19, %lt3A_24 : i32
    %ne3A_26 = arith.xori %lt3A_23, %lt3A_25 : i1
    %and3A_27 = arith.andi %ne3A_26, %ne3A_22 : i1
    %add3A = arith.addi %rem3A_20, %select_n3A_19 : i32
    %select_n3A_28 = arith.select %and3A_27, %add3A, %rem3A_20 : i32
    %jit3A_29 = arith.constant 1 : i32
    %div3A_30 = arith.divsi %select_n3A_28, %jit3A_29 : i32
    %sign3A_31 = arith.constant 0 : i32
    %sign3A_32 = arith.cmpi sgt, %select_n3A_28, %sign3A_31 : i32
    %sign3A_33 = arith.extui %sign3A_32 : i1 to i32
    %sign3A_34 = arith.constant 0 : i32
    %sign3A_35 = arith.cmpi slt, %select_n3A_28, %sign3A_34 : i32
    %sign3A_36 = arith.extui %sign3A_35 : i1 to i32
    %sign3A_37 = arith.subi %sign3A_33, %sign3A_36 : i32
    %sign3A_38 = arith.constant 0 : i32
    %sign3A_39 = arith.cmpi sgt, %jit3A_29, %sign3A_38 : i32
    %sign3A_40 = arith.extui %sign3A_39 : i1 to i32
    %sign3A_41 = arith.constant 0 : i32
    %sign3A_42 = arith.cmpi slt, %jit3A_29, %sign3A_41 : i32
    %sign3A_43 = arith.extui %sign3A_42 : i1 to i32
    %sign3A_44 = arith.subi %sign3A_40, %sign3A_43 : i32
    %ne3A_45 = arith.cmpi ne, %sign3A_37, %sign3A_44 : i32
    %rem3A_46 = arith.remsi %select_n3A_28, %jit3A_29 : i32
    %ne3A_47 = arith.constant 0 : i32
    %ne3A_48 = arith.cmpi ne, %rem3A_46, %ne3A_47 : i32
    %and3A_49 = arith.andi %ne3A_45, %ne3A_48 : i1
    %sub3A_50 = arith.constant 1 : i32
    %sub3A_51 = arith.subi %div3A_30, %sub3A_50 : i32
    %select_n3A_52 = arith.select %and3A_49, %sub3A_51, %div3A_30 : i32
    %jit3A_53 = arith.constant 1 : i32
    %eq3A_54 = arith.constant 0 : i32
    %eq3A_55 = arith.cmpi eq, %jit3A_53, %eq3A_54 : i32
    %jit3A_56 = arith.constant 1 : i32
    %select_n3A_57 = arith.select %eq3A_55, %jit3A_56, %jit3A_53 : i32
    %rem3A_58 = arith.remsi %select_n3A_28, %select_n3A_57 : i32
    %ne3A_59 = arith.constant 0 : i32
    %ne3A_60 = arith.cmpi ne, %rem3A_58, %ne3A_59 : i32
    %lt3A_61 = arith.constant 0 : i32
    %lt3A_62 = arith.cmpi slt, %rem3A_58, %lt3A_61 : i32
    %lt3A_63 = arith.constant 0 : i32
    %lt3A_64 = arith.cmpi slt, %select_n3A_57, %lt3A_63 : i32
    %ne3A_65 = arith.xori %lt3A_62, %lt3A_64 : i1
    %and3A_66 = arith.andi %ne3A_65, %ne3A_60 : i1
    %add3A_67 = arith.addi %rem3A_58, %select_n3A_57 : i32
    %select_n3A_68 = arith.select %and3A_66, %add3A_67, %rem3A_58 : i32
    %c0_i32 = arith.constant 0 : i32
    %c0_i32_69 = arith.constant 0 : i32
    %c0_i32_70 = arith.constant 0 : i32
    return %select_n3A_52, %select_n3A, %c0_i32, %c0_i32_69 : i32, i32, i32, i32
  }
  func.func @transform_3(%arg0: i32) -> (i32, i32, i32, i32) {
    %jit3A = arith.constant 8 : i32
    %div3A = arith.divsi %arg0, %jit3A : i32
    %sign3A = arith.constant 0 : i32
    %sign3A_0 = arith.cmpi sgt, %arg0, %sign3A : i32
    %sign3A_1 = arith.extui %sign3A_0 : i1 to i32
    %sign3A_2 = arith.constant 0 : i32
    %sign3A_3 = arith.cmpi slt, %arg0, %sign3A_2 : i32
    %sign3A_4 = arith.extui %sign3A_3 : i1 to i32
    %sign3A_5 = arith.subi %sign3A_1, %sign3A_4 : i32
    %sign3A_6 = arith.constant 0 : i32
    %sign3A_7 = arith.cmpi sgt, %jit3A, %sign3A_6 : i32
    %sign3A_8 = arith.extui %sign3A_7 : i1 to i32
    %sign3A_9 = arith.constant 0 : i32
    %sign3A_10 = arith.cmpi slt, %jit3A, %sign3A_9 : i32
    %sign3A_11 = arith.extui %sign3A_10 : i1 to i32
    %sign3A_12 = arith.subi %sign3A_8, %sign3A_11 : i32
    %ne3A = arith.cmpi ne, %sign3A_5, %sign3A_12 : i32
    %rem3A = arith.remsi %arg0, %jit3A : i32
    %ne3A_13 = arith.constant 0 : i32
    %ne3A_14 = arith.cmpi ne, %rem3A, %ne3A_13 : i32
    %and3A = arith.andi %ne3A, %ne3A_14 : i1
    %sub3A = arith.constant 1 : i32
    %sub3A_15 = arith.subi %div3A, %sub3A : i32
    %select_n3A = arith.select %and3A, %sub3A_15, %div3A : i32
    %jit3A_16 = arith.constant 8 : i32
    %eq3A = arith.constant 0 : i32
    %eq3A_17 = arith.cmpi eq, %jit3A_16, %eq3A : i32
    %jit3A_18 = arith.constant 1 : i32
    %select_n3A_19 = arith.select %eq3A_17, %jit3A_18, %jit3A_16 : i32
    %rem3A_20 = arith.remsi %arg0, %select_n3A_19 : i32
    %ne3A_21 = arith.constant 0 : i32
    %ne3A_22 = arith.cmpi ne, %rem3A_20, %ne3A_21 : i32
    %lt3A = arith.constant 0 : i32
    %lt3A_23 = arith.cmpi slt, %rem3A_20, %lt3A : i32
    %lt3A_24 = arith.constant 0 : i32
    %lt3A_25 = arith.cmpi slt, %select_n3A_19, %lt3A_24 : i32
    %ne3A_26 = arith.xori %lt3A_23, %lt3A_25 : i1
    %and3A_27 = arith.andi %ne3A_26, %ne3A_22 : i1
    %add3A = arith.addi %rem3A_20, %select_n3A_19 : i32
    %select_n3A_28 = arith.select %and3A_27, %add3A, %rem3A_20 : i32
    %jit3A_29 = arith.constant 1 : i32
    %div3A_30 = arith.divsi %select_n3A_28, %jit3A_29 : i32
    %sign3A_31 = arith.constant 0 : i32
    %sign3A_32 = arith.cmpi sgt, %select_n3A_28, %sign3A_31 : i32
    %sign3A_33 = arith.extui %sign3A_32 : i1 to i32
    %sign3A_34 = arith.constant 0 : i32
    %sign3A_35 = arith.cmpi slt, %select_n3A_28, %sign3A_34 : i32
    %sign3A_36 = arith.extui %sign3A_35 : i1 to i32
    %sign3A_37 = arith.subi %sign3A_33, %sign3A_36 : i32
    %sign3A_38 = arith.constant 0 : i32
    %sign3A_39 = arith.cmpi sgt, %jit3A_29, %sign3A_38 : i32
    %sign3A_40 = arith.extui %sign3A_39 : i1 to i32
    %sign3A_41 = arith.constant 0 : i32
    %sign3A_42 = arith.cmpi slt, %jit3A_29, %sign3A_41 : i32
    %sign3A_43 = arith.extui %sign3A_42 : i1 to i32
    %sign3A_44 = arith.subi %sign3A_40, %sign3A_43 : i32
    %ne3A_45 = arith.cmpi ne, %sign3A_37, %sign3A_44 : i32
    %rem3A_46 = arith.remsi %select_n3A_28, %jit3A_29 : i32
    %ne3A_47 = arith.constant 0 : i32
    %ne3A_48 = arith.cmpi ne, %rem3A_46, %ne3A_47 : i32
    %and3A_49 = arith.andi %ne3A_45, %ne3A_48 : i1
    %sub3A_50 = arith.constant 1 : i32
    %sub3A_51 = arith.subi %div3A_30, %sub3A_50 : i32
    %select_n3A_52 = arith.select %and3A_49, %sub3A_51, %div3A_30 : i32
    %jit3A_53 = arith.constant 1 : i32
    %eq3A_54 = arith.constant 0 : i32
    %eq3A_55 = arith.cmpi eq, %jit3A_53, %eq3A_54 : i32
    %jit3A_56 = arith.constant 1 : i32
    %select_n3A_57 = arith.select %eq3A_55, %jit3A_56, %jit3A_53 : i32
    %rem3A_58 = arith.remsi %select_n3A_28, %select_n3A_57 : i32
    %ne3A_59 = arith.constant 0 : i32
    %ne3A_60 = arith.cmpi ne, %rem3A_58, %ne3A_59 : i32
    %lt3A_61 = arith.constant 0 : i32
    %lt3A_62 = arith.cmpi slt, %rem3A_58, %lt3A_61 : i32
    %lt3A_63 = arith.constant 0 : i32
    %lt3A_64 = arith.cmpi slt, %select_n3A_57, %lt3A_63 : i32
    %ne3A_65 = arith.xori %lt3A_62, %lt3A_64 : i1
    %and3A_66 = arith.andi %ne3A_65, %ne3A_60 : i1
    %add3A_67 = arith.addi %rem3A_58, %select_n3A_57 : i32
    %select_n3A_68 = arith.select %and3A_66, %add3A_67, %rem3A_58 : i32
    %c0_i32 = arith.constant 0 : i32
    %c0_i32_69 = arith.constant 0 : i32
    %c0_i32_70 = arith.constant 0 : i32
    return %select_n3A_52, %select_n3A, %c0_i32, %c0_i32_69 : i32, i32, i32, i32
  }
}

</mosaic_0001>

<sc_bundles>
// kernel: kernel.5.cloned.1.call-start
scs
__scs_entry_jumppad:
0x0: {  	(pc) =	sbr.rel $0x88, $3  }
0x1: {  	(tag) =	ssettag $0x0;
	lr =	simm.s32 $0x1  }
0x2: {  	[smem:$0x3F9D] =	sst lr;
	_ =	strace $0xD0000000  }
0x3: {  	_ = 	snop  }
0x4: {  	_ = 	snop  }
0x5: {  	_ = 	snop  }
0x6: {  	_ = 	snop  }
0x7: {  	_ = 	snop  }
__scs_overlays_trampoline_lowered:
0x8: {  	[smem:$0x3FAC] =	sst s0  }
0x9: {  	[smem:$0x3FAD] =	sst s1  }
0xa: {  	[smem:$0x3FAE] =	sst s2  }
0xb: {  	[smem:$0x3FAF] =	sst s3  }
0xc: {  	[smem:$0x3FB0] =	sst s4  }
0xd: {  	[smem:$0x3FB1] =	sst s5  }
0xe: {  	[smem:$0x3FB2] =	sst s6  }
0xf: {  	[smem:$0x3FB3] =	sst s7  }
0x10: {  	[smem:$0x3FB4] =	sst s8  }
0x11: {  	[smem:$0x3FB5] =	sst s9;
	s0 =	simm.s32 @!p0 $0x0  }
0x12: {  	s1 =	sld [smem:$0x3F9B];
	s0 =	simm.s32 @p0 $0x1  }
0x13: {  	[smem:$0x3FB6] =	sst s0;
	s0 =	simm.s32 @!p1 $0x0  }
0x14: {  	s2 =	sld [smem:$0x3F9A];
	s0 =	simm.s32 @p1 $0x1  }
0x15: {  	[smem:$0x3FB7] =	sst s0;
	s0 =	simm.s32 @!p2 $0x0  }
0x16: {  	s3 =	sld [smem:$0x3FDB];
	s0 =	simm.s32 @p2 $0x1  }
0x17: {  	s4 =	simm.s32 $0x1BF5;
	[smem:$0x3FB9] =	sst s0  }
0x18: {  	s0 =	sld [smem:$0x3F9C];
	_ =	swait.ge [sflag:s4], $0x0  }
0x19: {  	s7 =	sld [smem:$0x3F9D]  }
0x1a: {  	s8 =	sadd.s32 $0xFFFFE003, lr  }
0x1b: {  	s9 =	sadd.s32 $0xFFFFFEF7, lr;
	s5 =	simm.s32 $0xFFFFFFFF;
	p2 =	slt.u32 s8, $0xFFFFF086  }
0x1c: {  	p1 =	slt.u32 s9, $0xF7A;
	s5 =	simm.s32 @!p2 $0x0  }
0x1d: {  	s5 =	simm.s32 @p1 $0x1;
	p0 =	seq.s32 s7, s2  }
0x1e: {  	s7 =	smul.u32 @!p0 $0xF7A, s2;
	p2 =	seq.s32 @!p0 s5, $0x0  }
0x1f: {  	s9 =	smul.u32 $0xF7A, s1;
	s8 =	simm.s32 @!p0 $0x1BF5;
	p2 =	por !p2, p0  }
0x20: {  	[sflag:s8] =	ssyncset.s32 @!p0 $0xFFFFF086;
	s6 =	sadd.s32 @!p0 s3, s7;
	s7 =	simm.s32 @!p0 $0x108  }
0x21: {  	s3 =	sadd.s32 s3, s9;
	s6 =	sadd.s32 @!p0 $0x88, s6;
	s7 =	simm.s32 @p2 $0x1082  }
0x22: {  	[simem:s7], [sflag:s8] =	dma.local @!p0 [hbm:s6], $0xF7A  }
0x23: {  	s9 =	sor.u32 $0xD0000000, s2;
	s6 =	simm.s32 $0x108;
	_ =	swait.ge @!p0 [sflag:s8], $0x0  }
0x24: {  	s3 =	sadd.s32 $0x88, s3;
	s6 =	simm.s32 @!p1 $0x1082;
	[sflag:s4] =	ssyncset.s32 $0xFFFFF086  }
0x25: {  	[simem:s6], [sflag:s4] =	dma.local [hbm:s3], $0xF7A  }
0x26: {  	[smem:$0x3F9D] =	sst s1;
	(tag) =	ssettag s2;
	_ =	strace s9  }
0x27: {  	s1 =	sld [smem:$0x3FAD]  }
0x28: {  	s2 =	sld [smem:$0x3FAE]  }
0x29: {  	s4 =	sld [smem:$0x3FB0]  }
0x2a: {  	p0 =	seq.s32 s5, $0x0;
	s5 =	sld [smem:$0x3FB1]  }
0x2b: {  	s6 =	sld [smem:$0x3FB2]  }
0x2c: {  	s7 =	sld [smem:$0x3FB3]  }
0x2d: {  	s3 =	simm.s32 $0x108;
	s8 =	sld [smem:$0x3FB4]  }
0x2e: {  	s3 =	simm.s32 @!p0 $0x1082;
	s9 =	sld [smem:$0x3FB5]  }
0x2f: {  	lr =	sadd.s32 s0, s3;
	s0 =	sld [smem:$0x3FAC]  }
0x30: {  	s3 =	sld [smem:$0x3FAF]  }
0x31: {  	[smem:$0x3FB8] =	sst s10  }
0x32: {  	s10 =	sld [smem:$0x3FB6];
	_ =	sdelay $0x3  }
0x33: {  	p0 =	seq.s32 s10, $0x1;
	s10 =	sld [smem:$0x3FB8];
	_ =	sdelay $0x3  }
0x34: {  	[smem:$0x3FB8] =	sst s10  }
0x35: {  	s10 =	sld [smem:$0x3FB7];
	_ =	sdelay $0x3  }
0x36: {  	p1 =	seq.s32 s10, $0x1;
	s10 =	sld [smem:$0x3FB8];
	_ =	sdelay $0x3  }
0x37: {  	[smem:$0x3FB8] =	sst s10  }
0x38: {  	s10 =	sld [smem:$0x3FB9]  }
0x39: {  	_ = 	snop;
	(pc) =	sbr.ind lr, $3  }
0x3a: {  	_ = 	snop  }
0x3b: {  	_ = 	snop  }
0x3c: {  	p2 =	seq.s32 s10, $0x1;
	s10 =	sld [smem:$0x3FB8]  }
0x3d: {  	_ =	shalt  }
0x3e: {  	_ =	shalt  }
0x3f: {  	_ =	shalt  }
0x40: {  	_ =	shalt  }
0x41: {  	_ =	shalt  }
0x42: {  	_ =	shalt  }
0x43: {  	_ =	shalt  }
0x44: {  	_ =	shalt  }
0x45: {  	_ =	shalt  }
0x46: {  	_ =	shalt  }
0x47: {  	_ =	shalt  }
0x48: {  	_ =	shalt  }
0x49: {  	_ =	shalt  }
0x4a: {  	_ =	shalt  }
0x4b: {  	_ =	shalt  }
0x4c: {  	_ =	shalt  }
0x4d: {  	_ =	shalt  }
0x4e: {  	_ =	shalt  }
0x4f: {  	_ =	shalt  }
0x50: {  	_ =	shalt  }
0x51: {  	_ =	shalt  }
0x52: {  	_ =	shalt  }
0x53: {  	_ =	shalt  }
0x54: {  	_ =	shalt  }
0x55: {  	_ =	shalt  }
0x56: {  	_ =	shalt  }
0x57: {  	_ =	shalt  }
0x58: {  	_ =	shalt  }
0x59: {  	_ =	shalt  }
0x5a: {  	_ =	shalt  }
0x5b: {  	_ =	shalt  }
0x5c: {  	_ =	shalt  }
0x5d: {  	_ =	shalt  }
0x5e: {  	_ =	shalt  }
0x5f: {  	_ =	shalt  }
0x60: {  	_ =	shalt  }
0x61: {  	_ =	shalt  }
0x62: {  	_ =	shalt  }
0x63: {  	_ =	shalt  }
0x64: {  	_ =	shalt  }
0x65: {  	_ =	shalt  }
0x66: {  	_ =	shalt  }
0x67: {  	_ =	shalt  }
0x68: {  	_ =	shalt  }
0x69: {  	_ =	shalt  }
0x6a: {  	_ =	shalt  }
0x6b: {  	_ =	shalt  }
0x6c: {  	_ =	shalt  }
0x6d: {  	_ =	shalt  }
0x6e: {  	_ =	shalt  }
0x6f: {  	_ =	shalt  }
0x70: {  	_ =	shalt  }
0x71: {  	_ =	shalt  }
0x72: {  	_ =	shalt  }
0x73: {  	_ =	shalt  }
0x74: {  	_ =	shalt  }
0x75: {  	_ =	shalt  }
0x76: {  	_ =	shalt  }
0x77: {  	_ =	shalt  }
0x78: {  	_ =	shalt  }
0x79: {  	_ =	shalt  }
0x7a: {  	_ =	shalt  }
0x7b: {  	_ =	shalt  }
0x7c: {  	_ =	shalt  }
0x7d: {  	_ =	shalt  }
0x7e: {  	_ =	shalt  }
0x7f: {  	_ =	shalt  }
0x80: {  	_ =	shalt  }
0x81: {  	_ =	shalt  }
0x82: {  	_ =	shalt  }
0x83: {  	_ =	shalt  }
0x84: {  	_ =	shalt  }
0x85: {  	_ =	shalt  }
0x86: {  	_ =	shalt  }
0x87: {  	_ =	shalt  }
.Lfunc_end0:
.L_simem_size_0:
called_computation_lowered:
.L_overlay_start_0:
0x88: {  	s2 =	sld [smem:$0x3FD9]  }
0x89: {  	s3 =	sld [smem:$0x3FFE];
	_ =	sdelay $0x1  }
0x8a: {  	s1 =	srdreg.scid  }
0x8b: {  	s0 =	sand.u32 $0x1, s1  }
0x8c: {  	s14 =	sshll.u32 s0, $0xA;
	s2 =	sadd.s32 s3, s2  }
0x8d: {  	s2 =	sadd.s32 s2, s14  }
0x8e: {  	[smem:$0x3FC4] =	sst s2  }
0x8f: {  	_ = 	snop  }
0x90: {  	s2 =	sld [smem:$0x3FD0];
	_ =	sdelay $0x2  }
0x91: {  	s15 =	simm.s32 $0xA;
	s4 =	simm.s32 $0x10  }
0x92: {  	[smem:s4], [sflag:s15] =	dma.local [hbm:s2], $0x1  }
0x93: {  	_ =	swait.eq [sflag:s15], $0x1  }
0x94: {  	[sflag:s15] =	ssyncset.done $0x0  }
0x95: {  	[sflag:s15] =	ssyncadd.s32 $0xFFFFFFFF  }
0x96: {  	s16 =	sld [smem:$0x10];
	(tm) =	ssettm $0x1  }
0x97: {  	s17 =	sld [smem:$0x3FFB];
	_ =	sdelay $0x3  }
0x98: {  	_ =	strace s17  }
0x99: {  	s3 =	sld [smem:$0x3FFC];
	_ =	sdelay $0x3  }
0x9a: {  	_ =	strace s3  }
0x9b: {  	s3 =	sld [smem:$0x3FFD];
	_ =	sdelay $0x3  }
0x9c: {  	_ =	strace s3  }
0x9d: {  	_ =	strace $0x8FFFFFFF  }
0x9e: {  	s18 =	sld [smem:$0x3FDB];
	_ =	sdelay $0x1  }
0x9f: {  	s19 =	simm.s32 $_scs_section_size  }
0xa0: {  	s5 =	simm.s32 $_size__tile_overlayer_lowered;
	s6 =	simm.s32 $_tile_overlayer_lowered  }
0xa1: {  	s22 =	simm.s32 $0x1BFF;
	s21 =	sshll.u32 s6, $0x1;
	s3 =	sadd.s32 s19, s18  }
0xa2: {  	s7 =	simm.s32 $0x0;
	s20 =	sshll.u32 s5, $0x1;
	s5 =	sadd.s32 s21, s3  }
0xa3: {  	[timem:s7], [sflag:s22] =	dma.local [hbm:s5], s20  }
0xa4: {  	_ =	swait.ge [sflag:s22], s20  }
0xa5: {  	s4 =	ssub.s32 $0x0, s20;
	[sflag:s22] =	ssyncset.done $0x0  }
0xa6: {  	[sflag:s22] =	ssyncadd.s32 s4;
	_ =	sdelay $0x1  }
0xa7: {  	s23 =	simm.s32 $0x1B8B  }
0xa8: {  	_ =	swait.ge [sflag:s23], $0x1  }
0xa9: {  	[sflag:s23] =	ssyncset.done $0x0  }
0xaa: {  	s25 =	simm.s32 $0x1B8E;
	s24 =	sld [smem:$0x3FFE];
	[sflag:s23] =	ssyncadd.s32 $0xFFFFFFFF  }
0xab: {  	s26 =	simm.s32 $execute0_lowered;
	[smem:$0x3FD2] =	sst s25  }
0xac: {  	s5 =	sshll.u32 s26, $0x1;
	_ =	strace $0x80000046;
	[dreg:$0x1] =	wrdreg $0xFFFFFFFF  }
0xad: {  	s28 =	simm.s32 $_size_execute0_lowered;
	s3 =	sadd.s32 s3, s5;
	[dreg:$0x0] =	wrdreg $0x0  }
0xae: {  	s5 =	sshll.u32 s28, $0x1;
	[dreg:$0x2] =	wrdreg s3  }
0xaf: {  	[dreg:$0x3] =	wrdreg s5  }
0xb0: {  	[dreg:$0x4] =	wrdreg $0xC0  }
0xb1: {  	_ =	task [dreg:s7], $0x5FFFF  }
0xb2: {  	[dreg:$0x1] =	wrdreg $0xFFFFFFFF  }
0xb3: {  	[dreg:$0x0] =	wrdreg $0x60  }
0xb4: {  	[dreg:$0x2] =	wrdreg s24  }
0xb5: {  	[dreg:$0x3] =	wrdreg s16  }
0xb6: {  	[dreg:$0x4] =	wrdreg $0x9  }
0xb7: {  	_ =	task.clear_ibuf [dreg:s7], $0x5FFFF;
	_ =	strace $0x90000046  }
0xb8: {  	s29 =	simm.s32 $0x9;
	_ =	strace $0x80000048  }
0xb9: {  	_ =	swait.ge [sflag:s29], $0x1  }
0xba: {  	[sflag:s29] =	ssyncadd.s32 $0xFFFFFFFF  }
0xbb: {  	_ =	strace $0x90000048  }
0xbc: {  	_ =	sfence  }
0xbd: {  	s30 =	sld [smem:$0x0];
	_ =	sdelay $0x2  }
0xbe: {  	s31 =	sshll.u32 s1, $0xD;
	s1 =	sshrl.u32 s1, $0x2  }
0xbf: {  	s3 =	sand.u32 $0x4000, s31;
	s1 =	sadd.s32 s1, s30  }
0xc0: {  	s0 =	sor.u32 s3, s0;
	s1 =	sshll.u32 s1, $0x11  }
0xc1: {  	s0 =	sor.u32 s1, s0  }
0xc2: {  	s0 =	sadd.s32 $0x8F2B, s0  }
0xc3: {  	[sflag:s0] =	ssyncadd.remote.s32 $0x1  }
0xc4: {  	_ =	sfence.sel $0xFFFF  }
0xc5: {  	[dreg:$0x0] =	wrdreg $0xFFFFFFFF;
	(pc) =	sbr.abs _section_cstart, $3  }
0xc6: {  	[dreg:$0x1] =	wrdreg $0xFFFFFFFF  }
0xc7: {  	_ =	task.clear_ibuf [dreg:s7], $0x2FFFF;
	_ =	strace $0x9FFFFFFF  }
0xc8: {  	(tm) =	ssettm $0x7FFFFFFF  }
0xc9: {  	_ =	shalt  }
tec
execute0_lowered:
.L_overlay_start_1:
0x0: {  	(tag) =	ssettag $0x1  }
0x1: {  	s9 =	rddreg [dreg:$0x0]  }
0x2: {  	s1 =	srdreg.scid;
	s0 =	stileid.u32  }
0x3: {  	s3 =	rddreg [dreg:$0x1];
	s28 =	sand.u32 $0x1, s1;
	s4 =	sshll.u32 s0, $0x1  }
0x4: {  	s2 =	simm.s32 $0x0;
	s1 =	rddreg [dreg:$0x2];
	s11 =	sor.u32 s28, s4  }
0x5: {  	[smem:$0x7FF] =	sst s2;
	s4 =	sshll.u32 s11, $0x8  }
0x6: {  	_ =	strace $0x80000047;
	s3 =	sadd.s32 s3, s4;
	s4 =	simm.s32 $0x4  }
0x7: {  	[tilespmem:s2], [sflag:$0x4] =	stream.linear.gather [hbm4b:s3+s2], $0x480, $0x38;
	[tilespmem:$0x8800] =	vst v63  }
0x8: {  	_ =	swait.ge [sflag:s4], $0x480  }
0x9: {  	s6 =	simm.s32 $0x80;
	s7 =	simm.s32 $0x800;
	[sflag:s4] =	ssyncset.done $0x0  }
0xa: {  	s8 =	simm.s32 $0x1;
	s5 =	sadd.s32 $0x100C00, s9;
	[sflag:s4] =	ssyncadd.s32 $0xFFFFFB80  }
0xb: {  	[tilespmem:s7], [sflag:$0x1] =	stream.indirect.gather [hbm4b:s5+s6], $0x80, s2, s6, $0xb8;
	[tilespmem:$0x8800] =	vst v63  }
0xc: {  	_ =	swait.ge [sflag:s8], $0x4000  }
0xd: {  	s12 =	sadd.s32 $0xC00, s9;
	[sflag:s8] =	ssyncset.done $0x0  }
0xe: {  	s9 =	simm.s32 $0x4800;
	s10 =	smul.u32 $0x4800, s11;
	[sflag:s8] =	ssyncadd.s32 $0xFFFFC000  }
0xf: {  	[tilespmem:s9], [sflag:$0x1] =	stream.indirect.gather [hbm4b:s5+s6], $0x80, s6, s6, $0xb8;
	[tilespmem:$0x8800] =	vst v63  }
0x10: {  	s10 =	sadd.s32 s12, s10  }
0x11: {  	[hbm4b:s10+s2] =	stream.linear.scatter [tilespmem:s7], [sflag:$0x2], $0x4000, $0x38;
	[tilespmem:$0x8800] =	vst v63  }
0x12: {  	_ =	swait.ge [sflag:s8], $0x4000  }
0x13: {  	[sflag:s8] =	ssyncset.done $0x0  }
0x14: {  	s13 =	smul.u32 $0x24000, s11;
	s11 =	simm.s32 $0x2;
	[sflag:s8] =	ssyncadd.s32 $0xFFFFC000  }
0x15: {  	_ =	swait.ge [sflag:s11], $0x4000  }
0x16: {  	s13 =	sshrl.u32 s13, $0x3;
	[sflag:s11] =	ssyncset.done $0x0  }
0x17: {  	s29 =	sadd.s32 s12, s13;
	s12 =	simm.s32 $0x100;
	[sflag:s11] =	ssyncadd.s32 $0xFFFFC000  }
0x18: {  	[tilespmem:s7], [sflag:$0x1] =	stream.indirect.gather [hbm4b:s5+s6], $0x80, s12, s6, $0xb8;
	[tilespmem:$0x8800] =	vst v63  }
0x19: {  	s13 =	sadd.s32 $0x800, s29  }
0x1a: {  	[hbm4b:s13+s2] =	stream.linear.scatter [tilespmem:s9], [sflag:$0x3], $0x4000, $0x38;
	[tilespmem:$0x8800] =	vst v63  }
0x1b: {  	_ =	swait.ge [sflag:s8], $0x4000  }
0x1c: {  	[sflag:s8] =	ssyncset.done $0x0  }
0x1d: {  	s14 =	simm.s32 $0x3;
	[sflag:s8] =	ssyncadd.s32 $0xFFFFC000  }
0x1e: {  	_ =	swait.ge [sflag:s14], $0x4000  }
0x1f: {  	[sflag:s14] =	ssyncset.done $0x0  }
0x20: {  	s15 =	simm.s32 $0x180;
	[sflag:s14] =	ssyncadd.s32 $0xFFFFC000  }
0x21: {  	[tilespmem:s9], [sflag:$0x1] =	stream.indirect.gather [hbm4b:s5+s6], $0x80, s15, s6, $0xb8;
	[tilespmem:$0x8800] =	vst v63  }
0x22: {  	s16 =	sadd.s32 $0x1000, s29  }
0x23: {  	[hbm4b:s16+s2] =	stream.linear.scatter [tilespmem:s7], [sflag:$0x2], $0x4000, $0x38;
	[tilespmem:$0x8800] =	vst v63  }
0x24: {  	_ =	swait.ge [sflag:s8], $0x4000  }
0x25: {  	[sflag:s8] =	ssyncset.done $0x0  }
0x26: {  	[sflag:s8] =	ssyncadd.s32 $0xFFFFC000  }
0x27: {  	_ =	swait.ge [sflag:s11], $0x4000  }
0x28: {  	[sflag:s11] =	ssyncset.done $0x0  }
0x29: {  	s17 =	simm.s32 $0x200;
	[sflag:s11] =	ssyncadd.s32 $0xFFFFC000  }
0x2a: {  	[tilespmem:s7], [sflag:$0x1] =	stream.indirect.gather [hbm4b:s5+s6], $0x80, s17, s6, $0xb8;
	[tilespmem:$0x8800] =	vst v63  }
0x2b: {  	s18 =	sadd.s32 $0x1800, s29  }
0x2c: {  	[hbm4b:s18+s2] =	stream.linear.scatter [tilespmem:s9], [sflag:$0x3], $0x4000, $0x38;
	[tilespmem:$0x8800] =	vst v63  }
0x2d: {  	_ =	swait.ge [sflag:s8], $0x4000  }
0x2e: {  	[sflag:s8] =	ssyncset.done $0x0  }
0x2f: {  	[sflag:s8] =	ssyncadd.s32 $0xFFFFC000  }
0x30: {  	_ =	swait.ge [sflag:s14], $0x4000  }
0x31: {  	[sflag:s14] =	ssyncset.done $0x0  }
0x32: {  	s19 =	simm.s32 $0x280;
	[sflag:s14] =	ssyncadd.s32 $0xFFFFC000  }
0x33: {  	[tilespmem:s9], [sflag:$0x1] =	stream.indirect.gather [hbm4b:s5+s6], $0x80, s19, s6, $0xb8;
	[tilespmem:$0x8800] =	vst v63  }
0x34: {  	s20 =	sadd.s32 $0x2000, s29  }
0x35: {  	[hbm4b:s20+s2] =	stream.linear.scatter [tilespmem:s7], [sflag:$0x2], $0x4000, $0x38;
	[tilespmem:$0x8800] =	vst v63  }
0x36: {  	_ =	swait.ge [sflag:s8], $0x4000  }
0x37: {  	[sflag:s8] =	ssyncset.done $0x0  }
0x38: {  	[sflag:s8] =	ssyncadd.s32 $0xFFFFC000  }
0x39: {  	_ =	swait.ge [sflag:s11], $0x4000  }
0x3a: {  	[sflag:s11] =	ssyncset.done $0x0  }
0x3b: {  	s21 =	simm.s32 $0x300;
	[sflag:s11] =	ssyncadd.s32 $0xFFFFC000  }
0x3c: {  	[tilespmem:s7], [sflag:$0x1] =	stream.indirect.gather [hbm4b:s5+s6], $0x80, s21, s6, $0xb8;
	[tilespmem:$0x8800] =	vst v63  }
0x3d: {  	s22 =	sadd.s32 $0x2800, s29  }
0x3e: {  	[hbm4b:s22+s2] =	stream.linear.scatter [tilespmem:s9], [sflag:$0x3], $0x4000, $0x38;
	[tilespmem:$0x8800] =	vst v63  }
0x3f: {  	_ =	swait.ge [sflag:s8], $0x4000  }
0x40: {  	[sflag:s8] =	ssyncset.done $0x0  }
0x41: {  	[sflag:s8] =	ssyncadd.s32 $0xFFFFC000  }
0x42: {  	_ =	swait.ge [sflag:s14], $0x4000  }
0x43: {  	[sflag:s14] =	ssyncset.done $0x0  }
0x44: {  	s23 =	simm.s32 $0x380;
	[sflag:s14] =	ssyncadd.s32 $0xFFFFC000  }
0x45: {  	[tilespmem:s9], [sflag:$0x1] =	stream.indirect.gather [hbm4b:s5+s6], $0x80, s23, s6, $0xb8;
	[tilespmem:$0x8800] =	vst v63  }
0x46: {  	s24 =	sadd.s32 $0x3000, s29  }
0x47: {  	[hbm4b:s24+s2] =	stream.linear.scatter [tilespmem:s7], [sflag:$0x2], $0x4000, $0x38;
	[tilespmem:$0x8800] =	vst v63  }
0x48: {  	_ =	swait.ge [sflag:s8], $0x4000  }
0x49: {  	[sflag:s8] =	ssyncset.done $0x0  }
0x4a: {  	[sflag:s8] =	ssyncadd.s32 $0xFFFFC000  }
0x4b: {  	_ =	swait.ge [sflag:s11], $0x4000  }
0x4c: {  	[sflag:s11] =	ssyncset.done $0x0  }
0x4d: {  	s25 =	simm.s32 $0x400;
	s30 =	ssub.s32 $0x2, s28;
	[sflag:s11] =	ssyncadd.s32 $0xFFFFC000  }
0x4e: {  	[tilespmem:s7], [sflag:$0x1] =	stream.indirect.gather [hbm4b:s5+s6], $0x80, s25, s6, $0xb8;
	[tilespmem:$0x8800] =	vst v63  }
0x4f: {  	s26 =	sadd.s32 $0x3800, s29;
	s28 =	sadd.s32 $0x4000, s29;
	s29 =	sshrl.u32 s30, $0x1  }
0x50: {  	[hbm4b:s26+s2] =	stream.linear.scatter [tilespmem:s9], [sflag:$0x3], $0x4000, $0x38;
	[tilespmem:$0x8800] =	vst v63  }
0x51: {  	s29 =	ssub.s32 s30, s29;
	_ =	swait.ge [sflag:s8], $0x4000  }
0x52: {  	s29 =	smax.u32 s29, $0x1;
	[sflag:s8] =	ssyncset.done $0x0  }
0x53: {  	p0 =	sne.s32 s29, $0x1;
	[sflag:s8] =	ssyncadd.s32 $0xFFFFC000  }
0x54: {  	[hbm4b:s28+s2] =	stream.linear.scatter [tilespmem:s7], [sflag:$0x2], $0x4000, $0x38;
	[tilespmem:$0x8800] =	vst v63  }
.Ltmp0:
0x55: {  	_ =	swait.ge [sflag:s11], $0x4000;
	(pc) =	sbr.rel @!p0 .LBB2_2-.Ltmp0, $4  }
0x56: {  	[sflag:s11] =	ssyncset.done $0x0  }
0x57: {  	[sflag:s11] =	ssyncadd.s32 $0xFFFFC000  }
0x58: {  	_ =	swait.ge [sflag:s14], $0x4000  }
0x59: {  	s29 =	sadd.s32 $0xFFFFFFFF, s29;
	[sflag:s14] =	ssyncset.done $0x0  }
.LBB2_1:
0x5a: {  	p0 =	sne.s32 s29, $0x1;
	s29 =	sadd.s32 $0xFFFFFFFF, s29;
	[sflag:s14] =	ssyncadd.s32 $0xFFFFC000  }
0x5b: {  	[tilespmem:s2], [sflag:$0x4] =	stream.linear.gather [hbm4b:s3+s2], $0x480, $0x38;
	[tilespmem:$0x8800] =	vst v63  }
0x5c: {  	_ =	swait.ge [sflag:s4], $0x480  }
0x5d: {  	[sflag:s4] =	ssyncset.done $0x0  }
0x5e: {  	[sflag:s4] =	ssyncadd.s32 $0xFFFFFB80  }
0x5f: {  	[tilespmem:s7], [sflag:$0x1] =	stream.indirect.gather [hbm4b:s5+s6], $0x80, s2, s6, $0xb8;
	[tilespmem:$0x8800] =	vst v63  }
0x60: {  	_ =	swait.ge [sflag:s8], $0x4000  }
0x61: {  	[sflag:s8] =	ssyncset.done $0x0  }
0x62: {  	[sflag:s8] =	ssyncadd.s32 $0xFFFFC000  }
0x63: {  	[tilespmem:s9], [sflag:$0x1] =	stream.indirect.gather [hbm4b:s5+s6], $0x80, s6, s6, $0xb8;
	[tilespmem:$0x8800] =	vst v63  }
0x64: {  	_ = 	snop  }
0x65: {  	[hbm4b:s10+s2] =	stream.linear.scatter [tilespmem:s7], [sflag:$0x2], $0x4000, $0x38;
	[tilespmem:$0x8800] =	vst v63  }
0x66: {  	_ =	swait.ge [sflag:s8], $0x4000  }
0x67: {  	[sflag:s8] =	ssyncset.done $0x0  }
0x68: {  	[sflag:s8] =	ssyncadd.s32 $0xFFFFC000  }
0x69: {  	_ =	swait.ge [sflag:s11], $0x4000  }
0x6a: {  	[sflag:s11] =	ssyncset.done $0x0  }
0x6b: {  	[sflag:s11] =	ssyncadd.s32 $0xFFFFC000  }
0x6c: {  	[tilespmem:s7], [sflag:$0x1] =	stream.indirect.gather [hbm4b:s5+s6], $0x80, s12, s6, $0xb8;
	[tilespmem:$0x8800] =	vst v63  }
0x6d: {  	_ = 	snop  }
0x6e: {  	[hbm4b:s13+s2] =	stream.linear.scatter [tilespmem:s9], [sflag:$0x3], $0x4000, $0x38;
	[tilespmem:$0x8800] =	vst v63  }
0x6f: {  	_ =	swait.ge [sflag:s8], $0x4000  }
0x70: {  	[sflag:s8] =	ssyncset.done $0x0  }
0x71: {  	[sflag:s8] =	ssyncadd.s32 $0xFFFFC000  }
0x72: {  	_ =	swait.ge [sflag:s14], $0x4000  }
0x73: {  	[sflag:s14] =	ssyncset.done $0x0  }
0x74: {  	[sflag:s14] =	ssyncadd.s32 $0xFFFFC000  }
0x75: {  	[tilespmem:s9], [sflag:$0x1] =	stream.indirect.gather [hbm4b:s5+s6], $0x80, s15, s6, $0xb8;
	[tilespmem:$0x8800] =	vst v63  }
0x76: {  	_ = 	snop  }
0x77: {  	[hbm4b:s16+s2] =	stream.linear.scatter [tilespmem:s7], [sflag:$0x2], $0x4000, $0x38;
	[tilespmem:$0x8800] =	vst v63  }
0x78: {  	_ =	swait.ge [sflag:s8], $0x4000  }
0x79: {  	[sflag:s8] =	ssyncset.done $0x0  }
0x7a: {  	[sflag:s8] =	ssyncadd.s32 $0xFFFFC000  }
0x7b: {  	_ =	swait.ge [sflag:s11], $0x4000  }
0x7c: {  	[sflag:s11] =	ssyncset.done $0x0  }
0x7d: {  	[sflag:s11] =	ssyncadd.s32 $0xFFFFC000  }
0x7e: {  	[tilespmem:s7], [sflag:$0x1] =	stream.indirect.gather [hbm4b:s5+s6], $0x80, s17, s6, $0xb8;
	[tilespmem:$0x8800] =	vst v63  }
0x7f: {  	_ = 	snop  }
0x80: {  	[hbm4b:s18+s2] =	stream.linear.scatter [tilespmem:s9], [sflag:$0x3], $0x4000, $0x38;
	[tilespmem:$0x8800] =	vst v63  }
0x81: {  	_ =	swait.ge [sflag:s8], $0x4000  }
0x82: {  	[sflag:s8] =	ssyncset.done $0x0  }
0x83: {  	[sflag:s8] =	ssyncadd.s32 $0xFFFFC000  }
0x84: {  	_ =	swait.ge [sflag:s14], $0x4000  }
0x85: {  	[sflag:s14] =	ssyncset.done $0x0  }
0x86: {  	[sflag:s14] =	ssyncadd.s32 $0xFFFFC000  }
0x87: {  	[tilespmem:s9], [sflag:$0x1] =	stream.indirect.gather [hbm4b:s5+s6], $0x80, s19, s6, $0xb8;
	[tilespmem:$0x8800] =	vst v63  }
0x88: {  	_ = 	snop  }
0x89: {  	[hbm4b:s20+s2] =	stream.linear.scatter [tilespmem:s7], [sflag:$0x2], $0x4000, $0x38;
	[tilespmem:$0x8800] =	vst v63  }
0x8a: {  	_ =	swait.ge [sflag:s8], $0x4000  }
0x8b: {  	[sflag:s8] =	ssyncset.done $0x0  }
0x8c: {  	[sflag:s8] =	ssyncadd.s32 $0xFFFFC000  }
0x8d: {  	_ =	swait.ge [sflag:s11], $0x4000  }
0x8e: {  	[sflag:s11] =	ssyncset.done $0x0  }
0x8f: {  	[sflag:s11] =	ssyncadd.s32 $0xFFFFC000  }
0x90: {  	[tilespmem:s7], [sflag:$0x1] =	stream.indirect.gather [hbm4b:s5+s6], $0x80, s21, s6, $0xb8;
	[tilespmem:$0x8800] =	vst v63  }
0x91: {  	_ = 	snop  }
0x92: {  	[hbm4b:s22+s2] =	stream.linear.scatter [tilespmem:s9], [sflag:$0x3], $0x4000, $0x38;
	[tilespmem:$0x8800] =	vst v63  }
0x93: {  	_ =	swait.ge [sflag:s8], $0x4000  }
0x94: {  	[sflag:s8] =	ssyncset.done $0x0  }
0x95: {  	[sflag:s8] =	ssyncadd.s32 $0xFFFFC000  }
0x96: {  	_ =	swait.ge [sflag:s14], $0x4000  }
0x97: {  	[sflag:s14] =	ssyncset.done $0x0  }
0x98: {  	[sflag:s14] =	ssyncadd.s32 $0xFFFFC000  }
0x99: {  	[tilespmem:s9], [sflag:$0x1] =	stream.indirect.gather [hbm4b:s5+s6], $0x80, s23, s6, $0xb8;
	[tilespmem:$0x8800] =	vst v63  }
0x9a: {  	_ = 	snop  }
0x9b: {  	[hbm4b:s24+s2] =	stream.linear.scatter [tilespmem:s7], [sflag:$0x2], $0x4000, $0x38;
	[tilespmem:$0x8800] =	vst v63  }
0x9c: {  	_ =	swait.ge [sflag:s8], $0x4000  }
0x9d: {  	[sflag:s8] =	ssyncset.done $0x0  }
0x9e: {  	[sflag:s8] =	ssyncadd.s32 $0xFFFFC000  }
0x9f: {  	_ =	swait.ge [sflag:s11], $0x4000  }
0xa0: {  	[sflag:s11] =	ssyncset.done $0x0  }
0xa1: {  	[sflag:s11] =	ssyncadd.s32 $0xFFFFC000  }
0xa2: {  	[tilespmem:s7], [sflag:$0x1] =	stream.indirect.gather [hbm4b:s5+s6], $0x80, s25, s6, $0xb8;
	[tilespmem:$0x8800] =	vst v63  }
0xa3: {  	_ = 	snop  }
0xa4: {  	[hbm4b:s26+s2] =	stream.linear.scatter [tilespmem:s9], [sflag:$0x3], $0x4000, $0x38;
	[tilespmem:$0x8800] =	vst v63  }
0xa5: {  	_ =	swait.ge [sflag:s8], $0x4000  }
0xa6: {  	[sflag:s8] =	ssyncset.done $0x0  }
0xa7: {  	[sflag:s8] =	ssyncadd.s32 $0xFFFFC000  }
0xa8: {  	[hbm4b:s28+s2] =	stream.linear.scatter [tilespmem:s7], [sflag:$0x2], $0x4000, $0x38;
	[tilespmem:$0x8800] =	vst v63  }
.Ltmp1:
0xa9: {  	_ =	swait.ge [sflag:s11], $0x4000;
	(pc) =	sbr.rel @p0 .LBB2_1-.Ltmp1, $4  }
0xaa: {  	[sflag:s11] =	ssyncset.done $0x0  }
0xab: {  	[sflag:s11] =	ssyncadd.s32 $0xFFFFC000  }
0xac: {  	_ =	swait.ge [sflag:s14], $0x4000  }
0xad: {  	[sflag:s14] =	ssyncset.done $0x0  }
.LBB2_2:
0xae: {  	[sflag:s14] =	ssyncadd.s32 $0xFFFFC000  }
0xaf: {  	_ =	sfence.sel $0x180000  }
0xb0: {  	[bflag:$0x0] =	sbarrier.arrive $0xFFFF  }
0xb1: {  	p0 =	sne.s32 s0, $0x0;
	_ =	strace $0x90000047  }
0xb2: {  	s0 =	sadd.s32 @!p0 $0x100000, s1;
	[bflag:$0x2] =	sbarrier.arrive $0xFFFF  }
0xb3: {  	[sflag:s0] =	ssyncadd.tile.s32 @!p0 $0x1;
	_ =	shalt  }
.Lfunc_end2:
_tile_overlayer_lowered:
.L_overlay_start_2:
0xb4: {  	(tag) =	ssettag $0x2  }
0xb5: {  	s0 =	rddreg [dreg:$0x0];
	s2 =	stileid.u32  }
0xb6: {  	s1 =	rddreg [dreg:$0x1];
	p0 =	sne.s32 s2, $0x0  }
0xb7: {  	s3 =	rddreg [dreg:$0x2];
	[bflag:$0x3] =	sbarrier.arrive $0xFFFF;
	s2 =	simm.s32 @!p0 $0x1C04  }
0xb8: {  	[timem:s3], [sflag:s2] =	dma.local @!p0 [hbm:s0], s1  }
0xb9: {  	s0 =	simm.s32 @!p0 $0x4  }
0xba: {  	_ =	swait.ge @!p0 [sflag:s0], s1  }
0xbb: {  	s1 =	ssub.s32 @!p0 $0x0, s1;
	[sflag:s0] =	ssyncset.done @!p0 $0x0  }
0xbc: {  	[sflag:s0] =	ssyncadd.s32 @!p0 s1  }
0xbd: {  	[bflag:$0x3] =	sbarrier.arrive $0xFFFF  }
0xbe: {  	_ =	shalt  }

</sc_bundles>
